<compile_context>
chip_gen: v7x
topology: tpu7x:2x2x1
jax: 0.10.2.dev20260603
libtpu: 0.0.44.dev20260713+nightly
codegen_flags: <defaults>
</compile_context>

<pallas_src>
import functools

import jax
import jax.numpy as jnp
from jax import lax
from jax.experimental import pallas as pl
from jax.experimental.pallas import tpu as pltpu
from jax.experimental.pallas import tpu_sc as plsc

_S = 4096
_K = 12
_CB = 256
_NBUF = 4
_L = 16
_NCH = _S // _L


def _sc_weights_body(logits_hbm, thres_hbm, w_hbm, o0_v, o1_v, w_v, t_v):
    wid = lax.axis_index("s") * 2 + lax.axis_index("c")

    @pl.when(wid < 16)
    def _task():
        b = wid // 2
        cls = wid % 2
        pltpu.sync_copy(logits_hbm.at[b, 0], o0_v)
        pltpu.sync_copy(logits_hbm.at[b, 1], o1_v)
        pltpu.sync_copy(thres_hbm.at[cls], t_v)
        t = t_v[...]
        pred16 = jnp.broadcast_to(cls == 0, (_L,))
        lane = lax.iota(jnp.int32, _L)

        def softmax_chunk(off):
            o0c = o0_v[pl.ds(off, _L)]
            o1c = o1_v[pl.ds(off, _L)]
            m = jnp.maximum(o0c, o1c)
            e0 = jnp.exp(o0c - m)
            e1 = jnp.exp(o1c - m)
            s = e0 + e1
            return jnp.where(pred16, e1, e0) / s

        def body(j, acc):
            off = j * _L
            p = softmax_chunk(off)
            wch = jnp.where(p > t, 1.0, 0.0).astype(jnp.float32)
            w_v[pl.ds(off, _L)] = wch
            return acc + wch

        acc = lax.fori_loop(0, _NCH, body, jnp.zeros((_L,), jnp.float32))
        cnt = jnp.sum(acc)
        cnt16 = jnp.broadcast_to(cnt, (_L,))
        pos = cnt16 > 0.0
        ones = jnp.full((_L,), jnp.float32(1.0))
        scale16 = jnp.where(pos, ones / jnp.where(pos, cnt16, ones),
                            jnp.zeros((_L,), jnp.float32))

        def norm(j, _):
            off = j * _L
            w_v[pl.ds(off, _L)] = w_v[pl.ds(off, _L)] * scale16
            return 0
        lax.fori_loop(0, _NCH, norm, 0)

        @pl.when(cnt <= 0)
        def _fallback():
            def tk_body(j, carry):
                top_p, top_i = carry
                off = j * _L
                p = softmax_chunk(off)
                sc_, si_ = plsc.sort_key_val(p, lane + off)
                rb = lax.rev(sc_, (0,))
                rbi = lax.rev(si_, (0,))
                ge = top_p >= rb
                merged_p = jnp.where(ge, top_p, rb)
                merged_i = jnp.where(ge, top_i, rbi)
                kp, ki = plsc.sort_key_val(merged_p, merged_i)
                return (kp, ki)

            tk_init = (
                jnp.full((_L,), -jnp.inf, jnp.float32),
                jnp.zeros((_L,), jnp.int32),
            )
            _, top_i = lax.fori_loop(0, _NCH, tk_body, tk_init)
            val = jnp.full((_L,), jnp.float32(1.0 / _K))
            plsc.store_scatter(w_v, [top_i], val, mask=lane >= (_L - _K))

        pltpu.sync_copy(w_v, w_hbm.at[b, cls])


def _sc_weights(logits, thres):
    mesh = plsc.VectorSubcoreMesh(core_axis_name="c", subcore_axis_name="s")
    return pl.kernel(
        _sc_weights_body,
        out_type=jax.ShapeDtypeStruct(logits.shape, jnp.float32),
        mesh=mesh,
        compiler_params=pltpu.CompilerParams(needs_layout_passes=False),
        scratch_types=[
            pltpu.VMEM((_S,), jnp.float32),
            pltpu.VMEM((_S,), jnp.float32),
            pltpu.VMEM((_S,), jnp.float32),
            pltpu.VMEM((_L,), jnp.float32),
        ],
    )(logits, thres)


def _make_pool(bs, C):
    nc = C // _CB
    tot = bs * nc

    def pool(w_ref, feat_hbm, out_ref, fbuf, sems):
        def start_copy(c, slot):
            b, jc = divmod(c, nc)
            pltpu.make_async_copy(
                feat_hbm.at[b, pl.ds(jc * _CB, _CB), :],
                fbuf.at[slot],
                sems.at[slot],
            ).start()

        for c in range(min(_NBUF, tot)):
            start_copy(c, c)

        for c in range(tot):
            slot = c % _NBUF
            b, jc = divmod(c, nc)
            pltpu.make_async_copy(
                feat_hbm.at[b, pl.ds(jc * _CB, _CB), :],
                fbuf.at[slot],
                sems.at[slot],
            ).wait()
            res = jax.lax.dot_general(
                w_ref[b], fbuf[slot], (((1,), (1,)), ((), ())),
                preferred_element_type=jnp.float32,
            )
            out_ref[b, :, pl.ds(jc * _CB, _CB)] = res
            if c + _NBUF < tot:
                start_copy(c + _NBUF, slot)

    return pool


@jax.jit
def _run(feature_q, out, tau):
    bs, C = feature_q.shape[0], feature_q.shape[1]
    feat = feature_q.reshape(bs, C, _S)
    logits = out.reshape(bs, 2, _S)
    fg_thres = jax.nn.sigmoid(tau.astype(jnp.float32))
    thres = jnp.stack([
        jnp.full((_L,), fg_thres),
        jnp.full((_L,), 1.0 - fg_thres),
    ])

    w = _sc_weights(logits, thres)

    pool = _make_pool(bs, C)
    protos = pl.pallas_call(
        pool,
        in_specs=[
            pl.BlockSpec((bs, 2, _S), lambda: (0, 0, 0)),
            pl.BlockSpec(memory_space=pltpu.HBM),
        ],
        out_specs=pl.BlockSpec((bs, 2, C), lambda: (0, 0, 0)),
        out_shape=jax.ShapeDtypeStruct((bs, 2, C), jnp.float32),
        scratch_shapes=[
            pltpu.VMEM((_NBUF, _CB, _S), jnp.float32),
            pltpu.SemaphoreType.DMA((_NBUF,)),
        ],
    )(w, feat)

    fg = protos[:, 0, :].reshape(bs, C, 1, 1)
    bg = protos[:, 1, :].reshape(bs, C, 1, 1)
    return fg, bg


def kernel(feature_q, out, tau):
    return _run(feature_q, out, jnp.asarray(tau))

# --- scband reference (transcript-rebuilt; emitter-appended) ---
"""Pipeline reference for scband-ssp-func-65730179498738 (READ-ONLY COPY).

The authoritative reference and input builder live on the scoring server;
editing this copy changes nothing except your own understanding.
"""

import jax, jax.numpy as jnp
import numpy as np


def setup_inputs(seed: int = 0) -> dict:
    key = jax.random.key(seed)
    k1, k2 = jax.random.split(key)
    feature_q = jax.random.normal(k1, (8, 512, 64, 64), dtype=jnp.float32)
    out = jax.random.normal(k2, (8, 2, 64, 64), dtype=jnp.float32)
    tau = jnp.float32(0.5)
    return {"feature_q": feature_q, "out": out, "tau": tau}


def reference(feature_q, out, tau):
    bs = feature_q.shape[0]
    C = feature_q.shape[1]
    pred = jax.nn.softmax(out, axis=1).reshape(bs, 2, -1)
    pred_fg = pred[:, 1]
    pred_bg = pred[:, 0]
    fg_thres = jax.nn.sigmoid(tau)
    bg_thres = 1.0 - fg_thres
    fg_ls, bg_ls = [], []
    for epi in range(bs):
        cur_feat = feature_q[epi].reshape(C, -1)
        m_fg = pred_fg[epi] > fg_thres
        w = m_fg.astype(cur_feat.dtype)
        cnt = w.sum()
        safe_cnt = jnp.where(cnt > 0, cnt, jnp.ones_like(cnt))
        fg_proto_mask = (cur_feat * w[None, :]).sum(-1) / safe_cnt
        idx = jax.lax.top_k(pred_fg[epi], 12)[1]
        fg_proto_topk = jnp.take(cur_feat, idx, axis=1).mean(-1)
        fg_proto = jnp.where(cnt > 0, fg_proto_mask, fg_proto_topk)
        m_bg = pred_bg[epi] > bg_thres
        w = m_bg.astype(cur_feat.dtype)
        cnt = w.sum()
        safe_cnt = jnp.where(cnt > 0, cnt, jnp.ones_like(cnt))
        bg_proto_mask = (cur_feat * w[None, :]).sum(-1) / safe_cnt
        idx = jax.lax.top_k(pred_bg[epi], 12)[1]
        bg_proto_topk = jnp.take(cur_feat, idx, axis=1).mean(-1)
        bg_proto = jnp.where(cnt > 0, bg_proto_mask, bg_proto_topk)
        fg_ls.append(fg_proto[None])
        bg_ls.append(bg_proto[None])
    fg = jnp.concatenate(fg_ls, 0)[..., None, None]
    bg = jnp.concatenate(bg_ls, 0)[..., None, None]
    return (fg, bg)

if __name__ == "__main__":
    import jax
    _d = setup_inputs()
    print(jax.jit(kernel)(*tuple(_d.values())))

</pallas_src>

<mosaic_0001>
#map = affine_map<(d0, d1) -> (0, 0, 0)>
#map1 = affine_map<(d0, d1) -> (0, 0)>
module attributes {stable_mosaic.version = 14 : i64} {
  func.func @_sc_weights_body(%arg0: i32, %arg1: i32, %arg2: memref<8x2x4096xf32, #tpu.memory_space<hbm>>, %arg3: memref<2x16xf32, #tpu.memory_space<hbm>>, %arg4: memref<8x2x4096xf32, #tpu.memory_space<hbm>>, %arg5: memref<4096xf32, #tpu.memory_space<vmem>>, %arg6: memref<4096xf32, #tpu.memory_space<vmem>>, %arg7: memref<4096xf32, #tpu.memory_space<vmem>>, %arg8: memref<16xf32, #tpu.memory_space<vmem>>) attributes {dimension_semantics = [#tpu.dimension_semantics<core_parallel>, #tpu.dimension_semantics<subcore_parallel>], iteration_bounds = array<i64: 2, 16>, scalar_prefetch = 0 : i64, scratch_operands = 4 : i64, tpu.core_type = #tpu.core_type<sc_vector_subcore>, window_params = [{transform_indices = #map}, {transform_indices = #map1}, {transform_indices = #map}]} {
    %mul3A = arith.constant 2 : i32
    %mul3A_0 = arith.muli %arg1, %mul3A : i32
    %add3A = arith.addi %mul3A_0, %arg0 : i32
    %lt3A = arith.constant 16 : i32
    %lt3A_1 = arith.cmpi slt, %add3A, %lt3A : i32
    %convert_element_type3A = arith.extui %lt3A_1 : i1 to i32
    %cond3A = arith.constant 0 : i32
    %cond3A_2 = arith.cmpi ne, %convert_element_type3A, %cond3A : i32
    scf.if %cond3A_2 {
      %jit3A = arith.constant 2 : i32
      %div3A = arith.divsi %add3A, %jit3A : i32
      %sign3A = arith.constant 0 : i32
      %sign3A_3 = arith.cmpi sgt, %add3A, %sign3A : i32
      %sign3A_4 = arith.extui %sign3A_3 : i1 to i32
      %sign3A_5 = arith.constant 0 : i32
      %sign3A_6 = arith.cmpi slt, %add3A, %sign3A_5 : i32
      %sign3A_7 = arith.extui %sign3A_6 : i1 to i32
      %sign3A_8 = arith.subi %sign3A_4, %sign3A_7 : i32
      %sign3A_9 = arith.constant 0 : i32
      %sign3A_10 = arith.cmpi sgt, %jit3A, %sign3A_9 : i32
      %sign3A_11 = arith.extui %sign3A_10 : i1 to i32
      %sign3A_12 = arith.constant 0 : i32
      %sign3A_13 = arith.cmpi slt, %jit3A, %sign3A_12 : i32
      %sign3A_14 = arith.extui %sign3A_13 : i1 to i32
      %sign3A_15 = arith.subi %sign3A_11, %sign3A_14 : i32
      %ne3A = arith.cmpi ne, %sign3A_8, %sign3A_15 : i32
      %rem3A = arith.remsi %add3A, %jit3A : i32
      %ne3A_16 = arith.constant 0 : i32
      %ne3A_17 = arith.cmpi ne, %rem3A, %ne3A_16 : i32
      %and3A = arith.andi %ne3A, %ne3A_17 : i1
      %sub3A = arith.constant 1 : i32
      %sub3A_18 = arith.subi %div3A, %sub3A : i32
      %select_n3A = arith.select %and3A, %sub3A_18, %div3A : i32
      %jit3A_19 = arith.constant 2 : i32
      %eq3A = arith.constant 0 : i32
      %eq3A_20 = arith.cmpi eq, %jit3A_19, %eq3A : i32
      %jit3A_21 = arith.constant 1 : i32
      %select_n3A_22 = arith.select %eq3A_20, %jit3A_21, %jit3A_19 : i32
      %rem3A_23 = arith.remsi %add3A, %select_n3A_22 : i32
      %ne3A_24 = arith.constant 0 : i32
      %ne3A_25 = arith.cmpi ne, %rem3A_23, %ne3A_24 : i32
      %lt3A_26 = arith.constant 0 : i32
      %lt3A_27 = arith.cmpi slt, %rem3A_23, %lt3A_26 : i32
      %lt3A_28 = arith.constant 0 : i32
      %lt3A_29 = arith.cmpi slt, %select_n3A_22, %lt3A_28 : i32
      %ne3A_30 = arith.xori %lt3A_27, %lt3A_29 : i1
      %and3A_31 = arith.andi %ne3A_30, %ne3A_25 : i1
      %add3A_32 = arith.addi %rem3A_23, %select_n3A_22 : i32
      %select_n3A_33 = arith.select %and3A_31, %add3A_32, %rem3A_23 : i32
      %run_scoped3A = arith.constant 0 : i32
      "tpu.region"() ({
        %run_scoped3A_69 = tpu.sem_alloc : memref<!tpu.dma_semaphore, #tpu.memory_space<semaphore_mem>>
        %dma_start3A = arith.constant 0 : i32
        %dma_start3A_70 = tpu.memref_slice %arg2[%select_n3A, %run_scoped3A, %dma_start3A] : memref<8x2x4096xf32, #tpu.memory_space<hbm>> -> memref<1x1x4096xf32, #tpu.memory_space<hbm>>
        %dma_start3A_71 = tpu.memref_squeeze %dma_start3A_70 : memref<1x1x4096xf32, #tpu.memory_space<hbm>> -> memref<4096xf32, #tpu.memory_space<hbm>>
        %dma_start3A_72 = arith.constant 0 : i32
        %dma_start3A_73 = tpu.memref_slice %arg2[%select_n3A, %run_scoped3A, %dma_start3A_72] : memref<8x2x4096xf32, #tpu.memory_space<hbm>> -> memref<1x1x4096xf32, #tpu.memory_space<hbm>>
        %dma_start3A_74 = tpu.memref_squeeze %dma_start3A_73 : memref<1x1x4096xf32, #tpu.memory_space<hbm>> -> memref<4096xf32, #tpu.memory_space<hbm>>
        tpu.enqueue_dma source(%dma_start3A_74 : memref<4096xf32, #tpu.memory_space<hbm>>) target(%arg5 : memref<4096xf32, #tpu.memory_space<vmem>>) target_semaphore(%run_scoped3A_69 : memref<!tpu.dma_semaphore, #tpu.memory_space<semaphore_mem>>)
        %dma_wait3A = arith.constant 0 : i32
        %dma_wait3A_75 = tpu.memref_slice %arg2[%select_n3A, %run_scoped3A, %dma_wait3A] : memref<8x2x4096xf32, #tpu.memory_space<hbm>> -> memref<1x1x4096xf32, #tpu.memory_space<hbm>>
        %dma_wait3A_76 = tpu.memref_squeeze %dma_wait3A_75 : memref<1x1x4096xf32, #tpu.memory_space<hbm>> -> memref<4096xf32, #tpu.memory_space<hbm>>
        %dma_wait3A_77 = arith.constant 0 : i32
        %dma_wait3A_78 = tpu.memref_slice %arg2[%select_n3A, %run_scoped3A, %dma_wait3A_77] : memref<8x2x4096xf32, #tpu.memory_space<hbm>> -> memref<1x1x4096xf32, #tpu.memory_space<hbm>>
        %dma_wait3A_79 = tpu.memref_squeeze %dma_wait3A_78 : memref<1x1x4096xf32, #tpu.memory_space<hbm>> -> memref<4096xf32, #tpu.memory_space<hbm>>
        tpu.wait_dma2 semaphore(%run_scoped3A_69 : memref<!tpu.dma_semaphore, #tpu.memory_space<semaphore_mem>>) src(%dma_wait3A_79 : memref<4096xf32, #tpu.memory_space<hbm>>) dst(%arg5 : memref<4096xf32, #tpu.memory_space<vmem>>)
        tpu.yield
      }) : () -> ()
      %run_scoped3A_34 = arith.constant 1 : i32
      "tpu.region"() ({
        %run_scoped3A_69 = tpu.sem_alloc : memref<!tpu.dma_semaphore, #tpu.memory_space<semaphore_mem>>
        %dma_start3A = arith.constant 0 : i32
        %dma_start3A_70 = tpu.memref_slice %arg2[%select_n3A, %run_scoped3A_34, %dma_start3A] : memref<8x2x4096xf32, #tpu.memory_space<hbm>> -> memref<1x1x4096xf32, #tpu.memory_space<hbm>>
        %dma_start3A_71 = tpu.memref_squeeze %dma_start3A_70 : memref<1x1x4096xf32, #tpu.memory_space<hbm>> -> memref<4096xf32, #tpu.memory_space<hbm>>
        %dma_start3A_72 = arith.constant 0 : i32
        %dma_start3A_73 = tpu.memref_slice %arg2[%select_n3A, %run_scoped3A_34, %dma_start3A_72] : memref<8x2x4096xf32, #tpu.memory_space<hbm>> -> memref<1x1x4096xf32, #tpu.memory_space<hbm>>
        %dma_start3A_74 = tpu.memref_squeeze %dma_start3A_73 : memref<1x1x4096xf32, #tpu.memory_space<hbm>> -> memref<4096xf32, #tpu.memory_space<hbm>>
        tpu.enqueue_dma source(%dma_start3A_74 : memref<4096xf32, #tpu.memory_space<hbm>>) target(%arg6 : memref<4096xf32, #tpu.memory_space<vmem>>) target_semaphore(%run_scoped3A_69 : memref<!tpu.dma_semaphore, #tpu.memory_space<semaphore_mem>>)
        %dma_wait3A = arith.constant 0 : i32
        %dma_wait3A_75 = tpu.memref_slice %arg2[%select_n3A, %run_scoped3A_34, %dma_wait3A] : memref<8x2x4096xf32, #tpu.memory_space<hbm>> -> memref<1x1x4096xf32, #tpu.memory_space<hbm>>
        %dma_wait3A_76 = tpu.memref_squeeze %dma_wait3A_75 : memref<1x1x4096xf32, #tpu.memory_space<hbm>> -> memref<4096xf32, #tpu.memory_space<hbm>>
        %dma_wait3A_77 = arith.constant 0 : i32
        %dma_wait3A_78 = tpu.memref_slice %arg2[%select_n3A, %run_scoped3A_34, %dma_wait3A_77] : memref<8x2x4096xf32, #tpu.memory_space<hbm>> -> memref<1x1x4096xf32, #tpu.memory_space<hbm>>
        %dma_wait3A_79 = tpu.memref_squeeze %dma_wait3A_78 : memref<1x1x4096xf32, #tpu.memory_space<hbm>> -> memref<4096xf32, #tpu.memory_space<hbm>>
        tpu.wait_dma2 semaphore(%run_scoped3A_69 : memref<!tpu.dma_semaphore, #tpu.memory_space<semaphore_mem>>) src(%dma_wait3A_79 : memref<4096xf32, #tpu.memory_space<hbm>>) dst(%arg6 : memref<4096xf32, #tpu.memory_space<vmem>>)
        tpu.yield
      }) : () -> ()
      "tpu.region"() ({
        %run_scoped3A_69 = tpu.sem_alloc : memref<!tpu.dma_semaphore, #tpu.memory_space<semaphore_mem>>
        %dma_start3A = arith.constant 0 : i32
        %dma_start3A_70 = tpu.memref_slice %arg3[%select_n3A_33, %dma_start3A] : memref<2x16xf32, #tpu.memory_space<hbm>> -> memref<1x16xf32, #tpu.memory_space<hbm>>
        %dma_start3A_71 = tpu.memref_squeeze %dma_start3A_70 : memref<1x16xf32, #tpu.memory_space<hbm>> -> memref<16xf32, #tpu.memory_space<hbm>>
        %dma_start3A_72 = arith.constant 0 : i32
        %dma_start3A_73 = tpu.memref_slice %arg3[%select_n3A_33, %dma_start3A_72] : memref<2x16xf32, #tpu.memory_space<hbm>> -> memref<1x16xf32, #tpu.memory_space<hbm>>
        %dma_start3A_74 = tpu.memref_squeeze %dma_start3A_73 : memref<1x16xf32, #tpu.memory_space<hbm>> -> memref<16xf32, #tpu.memory_space<hbm>>
        tpu.enqueue_dma source(%dma_start3A_74 : memref<16xf32, #tpu.memory_space<hbm>>) target(%arg8 : memref<16xf32, #tpu.memory_space<vmem>>) target_semaphore(%run_scoped3A_69 : memref<!tpu.dma_semaphore, #tpu.memory_space<semaphore_mem>>)
        %dma_wait3A = arith.constant 0 : i32
        %dma_wait3A_75 = tpu.memref_slice %arg3[%select_n3A_33, %dma_wait3A] : memref<2x16xf32, #tpu.memory_space<hbm>> -> memref<1x16xf32, #tpu.memory_space<hbm>>
        %dma_wait3A_76 = tpu.memref_squeeze %dma_wait3A_75 : memref<1x16xf32, #tpu.memory_space<hbm>> -> memref<16xf32, #tpu.memory_space<hbm>>
        %dma_wait3A_77 = arith.constant 0 : i32
        %dma_wait3A_78 = tpu.memref_slice %arg3[%select_n3A_33, %dma_wait3A_77] : memref<2x16xf32, #tpu.memory_space<hbm>> -> memref<1x16xf32, #tpu.memory_space<hbm>>
        %dma_wait3A_79 = tpu.memref_squeeze %dma_wait3A_78 : memref<1x16xf32, #tpu.memory_space<hbm>> -> memref<16xf32, #tpu.memory_space<hbm>>
        tpu.wait_dma2 semaphore(%run_scoped3A_69 : memref<!tpu.dma_semaphore, #tpu.memory_space<semaphore_mem>>) src(%dma_wait3A_79 : memref<16xf32, #tpu.memory_space<hbm>>) dst(%arg8 : memref<16xf32, #tpu.memory_space<vmem>>)
        tpu.yield
      }) : () -> ()
      %get3A = arith.constant 0 : index
      %get3A_35 = tpu.vector_load %arg8[%get3A] {strides = array<i32>} : memref<16xf32, #tpu.memory_space<vmem>>, vector<16xf32>,
      %eq3A_36 = arith.constant 0 : i32
      %eq3A_37 = arith.cmpi eq, %select_n3A_33, %eq3A_36 : i32
      %broadcast_in_dim3A = vector.broadcast %eq3A_37 : i1 to vector<16xi1>
      %iota3A = tpu.iota {dimensions = array<i32: 0>} : vector<16xi32>
      %broadcast_in_dim3A_38 = arith.constant 0.000000e+00 : f32
      %broadcast_in_dim3A_39 = vector.broadcast %broadcast_in_dim3A_38 : f32 to vector<16xf32>
      %scan3A = arith.constant 0 : i32
      %scan3A_40 = arith.constant 256 : i32
      %scan3A_41 = arith.addi %scan3A, %scan3A_40 : i32
      %scan3A_42 = arith.constant 1 : i32
      %scan3A_43 = scf.for %scan3A_69 = %scan3A to %scan3A_41 step %scan3A_42 iter_args(%scan3A_70 = %broadcast_in_dim3A_39) -> (vector<16xf32>)  : i32 {
        %mul3A_71 = arith.constant 16 : i32
        %mul3A_72 = arith.muli %scan3A_69, %mul3A_71 : i32
        %get3A_73 = arith.index_cast %mul3A_72 : i32 to index
        %get3A_74 = tpu.vector_load %arg5[%get3A_73] {strides = array<i32>} : memref<4096xf32, #tpu.memory_space<vmem>>, vector<16xf32>,
        %get3A_75 = arith.index_cast %mul3A_72 : i32 to index
        %get3A_76 = tpu.vector_load %arg6[%get3A_75] {strides = array<i32>} : memref<4096xf32, #tpu.memory_space<vmem>>, vector<16xf32>,
        %max3A = arith.maximumf %get3A_74, %get3A_76 : vector<16xf32>
        %sub3A_77 = arith.subf %get3A_74, %max3A : vector<16xf32>
        %exp3A = math.exp %sub3A_77 : vector<16xf32>
        %sub3A_78 = arith.subf %get3A_76, %max3A : vector<16xf32>
        %exp3A_79 = math.exp %sub3A_78 : vector<16xf32>
        %add3A_80 = arith.addf %exp3A, %exp3A_79 : vector<16xf32>
        %select_n3A_81 = arith.select %broadcast_in_dim3A, %exp3A_79, %exp3A : vector<16xi1>, vector<16xf32>
        %div3A_82 = arith.divf %select_n3A_81, %add3A_80 : vector<16xf32>
        %gt3A_83 = arith.cmpf ogt, %div3A_82, %get3A_35 : vector<16xf32>
        %jit3A_84 = arith.constant 1.000000e+00 : f32
        %jit3A_85 = arith.constant 0.000000e+00 : f32
        %broadcast_in_dim3A_86 = vector.broadcast %jit3A_84 : f32 to vector<16xf32>
        %broadcast_in_dim3A_87 = vector.broadcast %jit3A_85 : f32 to vector<16xf32>
        %select_n3A_88 = arith.select %gt3A_83, %broadcast_in_dim3A_86, %broadcast_in_dim3A_87 : vector<16xi1>, vector<16xf32>
        %swap3A = arith.index_cast %mul3A_72 : i32 to index
        %swap3A_89 = tpu.vector_load %arg7[%swap3A] {strides = array<i32>} : memref<4096xf32, #tpu.memory_space<vmem>>, vector<16xf32>,
        tpu.vector_store %arg7[%swap3A], %select_n3A_88 {strides = array<i32>} : memref<4096xf32, #tpu.memory_space<vmem>>, vector<16xf32>,
        %add3A_90 = arith.addf %scan3A_70, %select_n3A_88 : vector<16xf32>
        scf.yield %add3A_90 : vector<16xf32>
      }
      %scan3A_44 = arith.constant 256 : i32
      %reduce_sum3A = arith.constant true
      %reduce_sum3A_45 = vector.broadcast %reduce_sum3A : i1 to vector<16xi1>
      %reduce_sum3A_46 = tpu.scan <sum>, %scan3A_43 masked %reduce_sum3A_45 : vector<16xf32>, vector<16xi1> -> vector<16xf32>
      %reduce_sum3A_47 = vector.extract %reduce_sum3A_46[15] : f32 from vector<16xf32>
      %broadcast_in_dim3A_48 = vector.broadcast %reduce_sum3A_47 : f32 to vector<16xf32>
      %gt3A = arith.constant 0.000000e+00 : f32
      %gt3A_49 = vector.broadcast %gt3A : f32 to vector<16xf32>
      %gt3A_50 = arith.cmpf ogt, %broadcast_in_dim3A_48, %gt3A_49 : vector<16xf32>
      %broadcast_in_dim3A_51 = arith.constant 1.000000e+00 : f32
      %broadcast_in_dim3A_52 = vector.broadcast %broadcast_in_dim3A_51 : f32 to vector<16xf32>
      %select_n3A_53 = arith.select %gt3A_50, %broadcast_in_dim3A_48, %broadcast_in_dim3A_52 : vector<16xi1>, vector<16xf32>
      %div3A_54 = arith.divf %broadcast_in_dim3A_52, %select_n3A_53 : vector<16xf32>
      %broadcast_in_dim3A_55 = arith.constant 0.000000e+00 : f32
      %broadcast_in_dim3A_56 = vector.broadcast %broadcast_in_dim3A_55 : f32 to vector<16xf32>
      %select_n3A_57 = arith.select %gt3A_50, %div3A_54, %broadcast_in_dim3A_56 : vector<16xi1>, vector<16xf32>
      %scan3A_58 = arith.constant 0 : i32
      %scan3A_59 = arith.constant 0 : i32
      %scan3A_60 = arith.constant 256 : i32
      %scan3A_61 = arith.addi %scan3A_59, %scan3A_60 : i32
      %scan3A_62 = arith.constant 1 : i32
      %scan3A_63 = scf.for %scan3A_69 = %scan3A_59 to %scan3A_61 step %scan3A_62 iter_args(%scan3A_70 = %scan3A_58) -> (i32)  : i32 {
        %mul3A_71 = arith.constant 16 : i32
        %mul3A_72 = arith.muli %scan3A_69, %mul3A_71 : i32
        %get3A_73 = arith.index_cast %mul3A_72 : i32 to index
        %get3A_74 = tpu.vector_load %arg7[%get3A_73] {strides = array<i32>} : memref<4096xf32, #tpu.memory_space<vmem>>, vector<16xf32>,
        %mul3A_75 = arith.mulf %get3A_74, %select_n3A_57 : vector<16xf32>
        %swap3A = arith.index_cast %mul3A_72 : i32 to index
        %swap3A_76 = tpu.vector_load %arg7[%swap3A] {strides = array<i32>} : memref<4096xf32, #tpu.memory_space<vmem>>, vector<16xf32>,
        tpu.vector_store %arg7[%swap3A], %mul3A_75 {strides = array<i32>} : memref<4096xf32, #tpu.memory_space<vmem>>, vector<16xf32>,
        %scan3A_77 = arith.constant 0 : i32
        scf.yield %scan3A_77 : i32
      }
      %scan3A_64 = arith.constant 256 : i32
      %le3A = arith.constant 0.000000e+00 : f32
      %le3A_65 = arith.cmpf ole, %reduce_sum3A_47, %le3A : f32
      %convert_element_type3A_66 = arith.extui %le3A_65 : i1 to i32
      %cond3A_67 = arith.constant 0 : i32
      %cond3A_68 = arith.cmpi ne, %convert_element_type3A_66, %cond3A_67 : i32
      scf.if %cond3A_68 {
        %broadcast_in_dim3A_69 = arith.constant 0xFF800000 : f32
        %broadcast_in_dim3A_70 = vector.broadcast %broadcast_in_dim3A_69 : f32 to vector<16xf32>
        %broadcast_in_dim3A_71 = arith.constant 0 : i32
        %broadcast_in_dim3A_72 = vector.broadcast %broadcast_in_dim3A_71 : i32 to vector<16xi32>
        %scan3A_73 = arith.constant 0 : i32
        %scan3A_74 = arith.constant 256 : i32
        %scan3A_75 = arith.addi %scan3A_73, %scan3A_74 : i32
        %scan3A_76 = arith.constant 1 : i32
        %scan3A_77:2 = scf.for %scan3A_83 = %scan3A_73 to %scan3A_75 step %scan3A_76 iter_args(%scan3A_84 = %broadcast_in_dim3A_70, %scan3A_85 = %broadcast_in_dim3A_72) -> (vector<16xf32>, vector<16xi32>)  : i32 {
          %mul3A_86 = arith.constant 16 : i32
          %mul3A_87 = arith.muli %scan3A_83, %mul3A_86 : i32
          %get3A_88 = arith.index_cast %mul3A_87 : i32 to index
          %get3A_89 = tpu.vector_load %arg5[%get3A_88] {strides = array<i32>} : memref<4096xf32, #tpu.memory_space<vmem>>, vector<16xf32>,
          %get3A_90 = arith.index_cast %mul3A_87 : i32 to index
          %get3A_91 = tpu.vector_load %arg6[%get3A_90] {strides = array<i32>} : memref<4096xf32, #tpu.memory_space<vmem>>, vector<16xf32>,
          %max3A = arith.maximumf %get3A_89, %get3A_91 : vector<16xf32>
          %sub3A_92 = arith.subf %get3A_89, %max3A : vector<16xf32>
          %exp3A = math.exp %sub3A_92 : vector<16xf32>
          %sub3A_93 = arith.subf %get3A_91, %max3A : vector<16xf32>
          %exp3A_94 = math.exp %sub3A_93 : vector<16xf32>
          %add3A_95 = arith.addf %exp3A, %exp3A_94 : vector<16xf32>
          %select_n3A_96 = arith.select %broadcast_in_dim3A, %exp3A_94, %exp3A : vector<16xi1>, vector<16xf32>
          %div3A_97 = arith.divf %select_n3A_96, %add3A_95 : vector<16xf32>
          %add3A_98 = vector.broadcast %mul3A_87 : i32 to vector<16xi32>
          %add3A_99 = arith.addi %iota3A, %add3A_98 : vector<16xi32>
          %masked_sort3A = arith.constant dense<true> : vector<16xi1>
          %masked_sort3A_100, %masked_sort3A_101, %masked_sort3A_102 = tpu.sort %div3A_97, %add3A_99 masked %masked_sort3A : (vector<16xf32>, vector<16xi32>, vector<16xi1>) -> (vector<16xi1>, vector<16xf32>, vector<16xi32>)
          %rev3A = arith.constant 15 : i32
          %rev3A_103 = vector.broadcast %rev3A : i32 to vector<16xi32>
          %rev3A_104 = tpu.iota {dimensions = array<i32: 0>} : vector<16xi32>
          %rev3A_105 = arith.subi %rev3A_103, %rev3A_104 : vector<16xi32>
          %rev3A_106 = tpu.dynamic_gather %masked_sort3A_101[%rev3A_105] in [0] : vector<16xf32>, vector<16xi32> -> vector<16xf32>
          %rev3A_107 = arith.constant 15 : i32
          %rev3A_108 = vector.broadcast %rev3A_107 : i32 to vector<16xi32>
          %rev3A_109 = tpu.iota {dimensions = array<i32: 0>} : vector<16xi32>
          %rev3A_110 = arith.subi %rev3A_108, %rev3A_109 : vector<16xi32>
          %rev3A_111 = tpu.dynamic_gather %masked_sort3A_102[%rev3A_110] in [0] : vector<16xi32>, vector<16xi32> -> vector<16xi32>
          %ge3A_112 = arith.cmpf oge, %scan3A_84, %rev3A_106 : vector<16xf32>
          %select_n3A_113 = arith.select %ge3A_112, %scan3A_84, %rev3A_106 : vector<16xi1>, vector<16xf32>
          %select_n3A_114 = arith.select %ge3A_112, %scan3A_85, %rev3A_111 : vector<16xi1>, vector<16xi32>
          %masked_sort3A_115 = arith.constant dense<true> : vector<16xi1>
          %masked_sort3A_116, %masked_sort3A_117, %masked_sort3A_118 = tpu.sort %select_n3A_113, %select_n3A_114 masked %masked_sort3A_115 : (vector<16xf32>, vector<16xi32>, vector<16xi1>) -> (vector<16xi1>, vector<16xf32>, vector<16xi32>)
          scf.yield %masked_sort3A_117, %masked_sort3A_118 : vector<16xf32>, vector<16xi32>
        }
        %scan3A_78 = arith.constant 256 : i32
        %broadcast_in_dim3A_79 = arith.constant 0.0833333358 : f32
        %broadcast_in_dim3A_80 = vector.broadcast %broadcast_in_dim3A_79 : f32 to vector<16xf32>
        %ge3A = arith.constant 4 : i32
        %ge3A_81 = vector.broadcast %ge3A : i32 to vector<16xi32>
        %ge3A_82 = arith.cmpi sge, %iota3A, %ge3A_81 : vector<16xi32>
        tpu.vector_store_idx %arg7[%scan3A_77#1], %broadcast_in_dim3A_80 masked %ge3A_82 : memref<4096xf32, #tpu.memory_space<vmem>>[vector<16xi32>], vector<16xf32>, vector<16xi1>
      } else {
      }
      "tpu.region"() ({
        %run_scoped3A_69 = tpu.sem_alloc : memref<!tpu.dma_semaphore, #tpu.memory_space<semaphore_mem>>
        %dma_start3A = arith.constant 0 : i32
        %dma_start3A_70 = tpu.memref_slice %arg4[%select_n3A, %select_n3A_33, %dma_start3A] : memref<8x2x4096xf32, #tpu.memory_space<hbm>> -> memref<1x1x4096xf32, #tpu.memory_space<hbm>>
        %dma_start3A_71 = tpu.memref_squeeze %dma_start3A_70 : memref<1x1x4096xf32, #tpu.memory_space<hbm>> -> memref<4096xf32, #tpu.memory_space<hbm>>
        %dma_start3A_72 = arith.constant 0 : i32
        %dma_start3A_73 = tpu.memref_slice %arg4[%select_n3A, %select_n3A_33, %dma_start3A_72] : memref<8x2x4096xf32, #tpu.memory_space<hbm>> -> memref<1x1x4096xf32, #tpu.memory_space<hbm>>
        %dma_start3A_74 = tpu.memref_squeeze %dma_start3A_73 : memref<1x1x4096xf32, #tpu.memory_space<hbm>> -> memref<4096xf32, #tpu.memory_space<hbm>>
        tpu.enqueue_dma source(%arg7 : memref<4096xf32, #tpu.memory_space<vmem>>) target(%dma_start3A_74 : memref<4096xf32, #tpu.memory_space<hbm>>) target_semaphore(%run_scoped3A_69 : memref<!tpu.dma_semaphore, #tpu.memory_space<semaphore_mem>>)
        %dma_wait3A = arith.constant 0 : i32
        %dma_wait3A_75 = tpu.memref_slice %arg4[%select_n3A, %select_n3A_33, %dma_wait3A] : memref<8x2x4096xf32, #tpu.memory_space<hbm>> -> memref<1x1x4096xf32, #tpu.memory_space<hbm>>
        %dma_wait3A_76 = tpu.memref_squeeze %dma_wait3A_75 : memref<1x1x4096xf32, #tpu.memory_space<hbm>> -> memref<4096xf32, #tpu.memory_space<hbm>>
        %dma_wait3A_77 = arith.constant 0 : i32
        %dma_wait3A_78 = tpu.memref_slice %arg4[%select_n3A, %select_n3A_33, %dma_wait3A_77] : memref<8x2x4096xf32, #tpu.memory_space<hbm>> -> memref<1x1x4096xf32, #tpu.memory_space<hbm>>
        %dma_wait3A_79 = tpu.memref_squeeze %dma_wait3A_78 : memref<1x1x4096xf32, #tpu.memory_space<hbm>> -> memref<4096xf32, #tpu.memory_space<hbm>>
        tpu.wait_dma2 semaphore(%run_scoped3A_69 : memref<!tpu.dma_semaphore, #tpu.memory_space<semaphore_mem>>) src(%arg7 : memref<4096xf32, #tpu.memory_space<vmem>>) dst(%dma_wait3A_79 : memref<4096xf32, #tpu.memory_space<hbm>>)
        tpu.yield
      }) : () -> ()
    } else {
    }
    return
  }
}

module attributes {stable_mosaic.version = 14 : i64} {
  func.func @pool(%arg0: memref<8x2x4096xf32, #tpu.memory_space<vmem>>, %arg1: memref<8x512x4096xf32, #tpu.memory_space<hbm>>, %arg2: memref<8x2x512xf32, #tpu.memory_space<vmem>>, %arg3: memref<4x256x4096xf32, #tpu.memory_space<vmem>>, %arg4: memref<4x!tpu.dma_semaphore, #tpu.memory_space<semaphore_mem>>) attributes {dimension_semantics = [], scalar_prefetch = 0 : i64, scratch_operands = 2 : i64, tpu.core_type = #tpu.core_type<tc>} {
    %dma_start3A = arith.constant 0 : i32
    %dma_start3A_0 = arith.constant 0 : i32
    %dma_start3A_1 = arith.constant 0 : i32
    %dma_start3A_2 = tpu.memref_slice %arg4[%dma_start3A_1] : memref<4x!tpu.dma_semaphore, #tpu.memory_space<semaphore_mem>> -> memref<1x!tpu.dma_semaphore, #tpu.memory_space<semaphore_mem>>
    %dma_start3A_3 = tpu.memref_squeeze %dma_start3A_2 : memref<1x!tpu.dma_semaphore, #tpu.memory_space<semaphore_mem>> -> memref<!tpu.dma_semaphore, #tpu.memory_space<semaphore_mem>>
    %dma_start3A_4 = arith.constant 0 : i32
    %dma_start3A_5 = arith.constant 0 : i32
    %dma_start3A_6 = tpu.memref_slice %arg3[%dma_start3A_0, %dma_start3A_4, %dma_start3A_5] : memref<4x256x4096xf32, #tpu.memory_space<vmem>> -> memref<1x256x4096xf32, #tpu.memory_space<vmem>>
    %dma_start3A_7 = tpu.memref_squeeze %dma_start3A_6 : memref<1x256x4096xf32, #tpu.memory_space<vmem>> -> memref<256x4096xf32, #tpu.memory_space<vmem>>
    %dma_start3A_8 = arith.constant 0 : i32
    %dma_start3A_9 = arith.constant 0 : i32
    %dma_start3A_10 = tpu.memref_slice %arg1[%dma_start3A, %dma_start3A_8, %dma_start3A_9] : memref<8x512x4096xf32, #tpu.memory_space<hbm>> -> memref<1x256x4096xf32, #tpu.memory_space<hbm>>
    %dma_start3A_11 = tpu.memref_squeeze %dma_start3A_10 : memref<1x256x4096xf32, #tpu.memory_space<hbm>> -> memref<256x4096xf32, #tpu.memory_space<hbm>>
    tpu.enqueue_dma source(%dma_start3A_11 : memref<256x4096xf32, #tpu.memory_space<hbm>>) target(%dma_start3A_7 : memref<256x4096xf32, #tpu.memory_space<vmem>>) target_semaphore(%dma_start3A_3 : memref<!tpu.dma_semaphore, #tpu.memory_space<semaphore_mem>>)
    %dma_start3A_12 = arith.constant 0 : i32
    %dma_start3A_13 = arith.constant 1 : i32
    %dma_start3A_14 = arith.constant 1 : i32
    %dma_start3A_15 = tpu.memref_slice %arg4[%dma_start3A_14] : memref<4x!tpu.dma_semaphore, #tpu.memory_space<semaphore_mem>> -> memref<1x!tpu.dma_semaphore, #tpu.memory_space<semaphore_mem>>
    %dma_start3A_16 = tpu.memref_squeeze %dma_start3A_15 : memref<1x!tpu.dma_semaphore, #tpu.memory_space<semaphore_mem>> -> memref<!tpu.dma_semaphore, #tpu.memory_space<semaphore_mem>>
    %dma_start3A_17 = arith.constant 0 : i32
    %dma_start3A_18 = arith.constant 0 : i32
    %dma_start3A_19 = tpu.memref_slice %arg3[%dma_start3A_13, %dma_start3A_17, %dma_start3A_18] : memref<4x256x4096xf32, #tpu.memory_space<vmem>> -> memref<1x256x4096xf32, #tpu.memory_space<vmem>>
    %dma_start3A_20 = tpu.memref_squeeze %dma_start3A_19 : memref<1x256x4096xf32, #tpu.memory_space<vmem>> -> memref<256x4096xf32, #tpu.memory_space<vmem>>
    %dma_start3A_21 = arith.constant 256 : i32
    %dma_start3A_22 = arith.constant 0 : i32
    %dma_start3A_23 = tpu.memref_slice %arg1[%dma_start3A_12, %dma_start3A_21, %dma_start3A_22] : memref<8x512x4096xf32, #tpu.memory_space<hbm>> -> memref<1x256x4096xf32, #tpu.memory_space<hbm>>
    %dma_start3A_24 = tpu.memref_squeeze %dma_start3A_23 : memref<1x256x4096xf32, #tpu.memory_space<hbm>> -> memref<256x4096xf32, #tpu.memory_space<hbm>>
    tpu.enqueue_dma source(%dma_start3A_24 : memref<256x4096xf32, #tpu.memory_space<hbm>>) target(%dma_start3A_20 : memref<256x4096xf32, #tpu.memory_space<vmem>>) target_semaphore(%dma_start3A_16 : memref<!tpu.dma_semaphore, #tpu.memory_space<semaphore_mem>>)
    %dma_start3A_25 = arith.constant 1 : i32
    %dma_start3A_26 = arith.constant 2 : i32
    %dma_start3A_27 = arith.constant 2 : i32
    %dma_start3A_28 = tpu.memref_slice %arg4[%dma_start3A_27] : memref<4x!tpu.dma_semaphore, #tpu.memory_space<semaphore_mem>> -> memref<1x!tpu.dma_semaphore, #tpu.memory_space<semaphore_mem>>
    %dma_start3A_29 = tpu.memref_squeeze %dma_start3A_28 : memref<1x!tpu.dma_semaphore, #tpu.memory_space<semaphore_mem>> -> memref<!tpu.dma_semaphore, #tpu.memory_space<semaphore_mem>>
    %dma_start3A_30 = arith.constant 0 : i32
    %dma_start3A_31 = arith.constant 0 : i32
    %dma_start3A_32 = tpu.memref_slice %arg3[%dma_start3A_26, %dma_start3A_30, %dma_start3A_31] : memref<4x256x4096xf32, #tpu.memory_space<vmem>> -> memref<1x256x4096xf32, #tpu.memory_space<vmem>>
    %dma_start3A_33 = tpu.memref_squeeze %dma_start3A_32 : memref<1x256x4096xf32, #tpu.memory_space<vmem>> -> memref<256x4096xf32, #tpu.memory_space<vmem>>
    %dma_start3A_34 = arith.constant 0 : i32
    %dma_start3A_35 = arith.constant 0 : i32
    %dma_start3A_36 = tpu.memref_slice %arg1[%dma_start3A_25, %dma_start3A_34, %dma_start3A_35] : memref<8x512x4096xf32, #tpu.memory_space<hbm>> -> memref<1x256x4096xf32, #tpu.memory_space<hbm>>
    %dma_start3A_37 = tpu.memref_squeeze %dma_start3A_36 : memref<1x256x4096xf32, #tpu.memory_space<hbm>> -> memref<256x4096xf32, #tpu.memory_space<hbm>>
    tpu.enqueue_dma source(%dma_start3A_37 : memref<256x4096xf32, #tpu.memory_space<hbm>>) target(%dma_start3A_33 : memref<256x4096xf32, #tpu.memory_space<vmem>>) target_semaphore(%dma_start3A_29 : memref<!tpu.dma_semaphore, #tpu.memory_space<semaphore_mem>>)
    %dma_start3A_38 = arith.constant 1 : i32
    %dma_start3A_39 = arith.constant 3 : i32
    %dma_start3A_40 = arith.constant 3 : i32
    %dma_start3A_41 = tpu.memref_slice %arg4[%dma_start3A_40] : memref<4x!tpu.dma_semaphore, #tpu.memory_space<semaphore_mem>> -> memref<1x!tpu.dma_semaphore, #tpu.memory_space<semaphore_mem>>
    %dma_start3A_42 = tpu.memref_squeeze %dma_start3A_41 : memref<1x!tpu.dma_semaphore, #tpu.memory_space<semaphore_mem>> -> memref<!tpu.dma_semaphore, #tpu.memory_space<semaphore_mem>>
    %dma_start3A_43 = arith.constant 0 : i32
    %dma_start3A_44 = arith.constant 0 : i32
    %dma_start3A_45 = tpu.memref_slice %arg3[%dma_start3A_39, %dma_start3A_43, %dma_start3A_44] : memref<4x256x4096xf32, #tpu.memory_space<vmem>> -> memref<1x256x4096xf32, #tpu.memory_space<vmem>>
    %dma_start3A_46 = tpu.memref_squeeze %dma_start3A_45 : memref<1x256x4096xf32, #tpu.memory_space<vmem>> -> memref<256x4096xf32, #tpu.memory_space<vmem>>
    %dma_start3A_47 = arith.constant 256 : i32
    %dma_start3A_48 = arith.constant 0 : i32
    %dma_start3A_49 = tpu.memref_slice %arg1[%dma_start3A_38, %dma_start3A_47, %dma_start3A_48] : memref<8x512x4096xf32, #tpu.memory_space<hbm>> -> memref<1x256x4096xf32, #tpu.memory_space<hbm>>
    %dma_start3A_50 = tpu.memref_squeeze %dma_start3A_49 : memref<1x256x4096xf32, #tpu.memory_space<hbm>> -> memref<256x4096xf32, #tpu.memory_space<hbm>>
    tpu.enqueue_dma source(%dma_start3A_50 : memref<256x4096xf32, #tpu.memory_space<hbm>>) target(%dma_start3A_46 : memref<256x4096xf32, #tpu.memory_space<vmem>>) target_semaphore(%dma_start3A_42 : memref<!tpu.dma_semaphore, #tpu.memory_space<semaphore_mem>>)
    %dma_wait3A = arith.constant 0 : i32
    %dma_wait3A_51 = arith.constant 0 : i32
    %dma_wait3A_52 = arith.constant 0 : i32
    %dma_wait3A_53 = tpu.memref_slice %arg4[%dma_wait3A_52] : memref<4x!tpu.dma_semaphore, #tpu.memory_space<semaphore_mem>> -> memref<1x!tpu.dma_semaphore, #tpu.memory_space<semaphore_mem>>
    %dma_wait3A_54 = tpu.memref_squeeze %dma_wait3A_53 : memref<1x!tpu.dma_semaphore, #tpu.memory_space<semaphore_mem>> -> memref<!tpu.dma_semaphore, #tpu.memory_space<semaphore_mem>>
    %dma_wait3A_55 = arith.constant 0 : i32
    %dma_wait3A_56 = arith.constant 0 : i32
    %dma_wait3A_57 = tpu.memref_slice %arg3[%dma_wait3A_51, %dma_wait3A_55, %dma_wait3A_56] : memref<4x256x4096xf32, #tpu.memory_space<vmem>> -> memref<1x256x4096xf32, #tpu.memory_space<vmem>>
    %dma_wait3A_58 = tpu.memref_squeeze %dma_wait3A_57 : memref<1x256x4096xf32, #tpu.memory_space<vmem>> -> memref<256x4096xf32, #tpu.memory_space<vmem>>
    %dma_wait3A_59 = arith.constant 0 : i32
    %dma_wait3A_60 = arith.constant 0 : i32
    %dma_wait3A_61 = tpu.memref_slice %arg1[%dma_wait3A, %dma_wait3A_59, %dma_wait3A_60] : memref<8x512x4096xf32, #tpu.memory_space<hbm>> -> memref<1x256x4096xf32, #tpu.memory_space<hbm>>
    %dma_wait3A_62 = tpu.memref_squeeze %dma_wait3A_61 : memref<1x256x4096xf32, #tpu.memory_space<hbm>> -> memref<256x4096xf32, #tpu.memory_space<hbm>>
    tpu.wait_dma2 semaphore(%dma_wait3A_54 : memref<!tpu.dma_semaphore, #tpu.memory_space<semaphore_mem>>) src(%dma_wait3A_62 : memref<256x4096xf32, #tpu.memory_space<hbm>>) dst(%dma_wait3A_58 : memref<256x4096xf32, #tpu.memory_space<vmem>>)
    %get3A = arith.constant 0 : index
    %get3A_63 = arith.constant 0 : index
    %get3A_64 = arith.constant 0 : index
    %get3A_65 = vector.load %arg0[%get3A, %get3A_63, %get3A_64] : memref<8x2x4096xf32, #tpu.memory_space<vmem>>, vector<1x2x4096xf32>
    %get3A_66 = vector.shape_cast %get3A_65 : vector<1x2x4096xf32> to vector<2x4096xf32>
    %get3A_67 = arith.constant 0 : index
    %get3A_68 = arith.constant 0 : index
    %get3A_69 = arith.constant 0 : index
    %get3A_70 = vector.load %arg3[%get3A_67, %get3A_68, %get3A_69] : memref<4x256x4096xf32, #tpu.memory_space<vmem>>, vector<1x256x4096xf32>
    %get3A_71 = vector.shape_cast %get3A_70 : vector<1x256x4096xf32> to vector<256x4096xf32>
    %dot_general3A = arith.constant dense<0.000000e+00> : vector<2x256xf32>
    %dot_general3A_72 = tpu.matmul %get3A_66, %get3A_71, %dot_general3A {dimension_numbers = #tpu.dot_dimension_numbers<[1], [1], [0], [0], [0, 0, 1, 0], [], []>, transpose_lhs_hint = false} : vector<2x4096xf32>, vector<256x4096xf32>, vector<2x256xf32> -> vector<2x256xf32>
    %swap3A = arith.constant 0 : index
    %swap3A_73 = arith.constant 0 : index
    %swap3A_74 = arith.constant 0 : index
    %swap3A_75 = vector.load %arg2[%swap3A, %swap3A_73, %swap3A_74] : memref<8x2x512xf32, #tpu.memory_space<vmem>>, vector<1x2x256xf32>
    %swap3A_76 = vector.shape_cast %swap3A_75 : vector<1x2x256xf32> to vector<2x256xf32>
    %swap3A_77 = vector.shape_cast %dot_general3A_72 : vector<2x256xf32> to vector<1x2x256xf32>
    tpu.vector_store %arg2[%swap3A, %swap3A_73, %swap3A_74], %swap3A_77 {strides = array<i32>} : memref<8x2x512xf32, #tpu.memory_space<vmem>>, vector<1x2x256xf32>,
    %dma_start3A_78 = arith.constant 2 : i32
    %dma_start3A_79 = arith.constant 0 : i32
    %dma_start3A_80 = arith.constant 0 : i32
    %dma_start3A_81 = tpu.memref_slice %arg4[%dma_start3A_80] : memref<4x!tpu.dma_semaphore, #tpu.memory_space<semaphore_mem>> -> memref<1x!tpu.dma_semaphore, #tpu.memory_space<semaphore_mem>>
    %dma_start3A_82 = tpu.memref_squeeze %dma_start3A_81 : memref<1x!tpu.dma_semaphore, #tpu.memory_space<semaphore_mem>> -> memref<!tpu.dma_semaphore, #tpu.memory_space<semaphore_mem>>
    %dma_start3A_83 = arith.constant 0 : i32
    %dma_start3A_84 = arith.constant 0 : i32
    %dma_start3A_85 = tpu.memref_slice %arg3[%dma_start3A_79, %dma_start3A_83, %dma_start3A_84] : memref<4x256x4096xf32, #tpu.memory_space<vmem>> -> memref<1x256x4096xf32, #tpu.memory_space<vmem>>
    %dma_start3A_86 = tpu.memref_squeeze %dma_start3A_85 : memref<1x256x4096xf32, #tpu.memory_space<vmem>> -> memref<256x4096xf32, #tpu.memory_space<vmem>>
    %dma_start3A_87 = arith.constant 0 : i32
    %dma_start3A_88 = arith.constant 0 : i32
    %dma_start3A_89 = tpu.memref_slice %arg1[%dma_start3A_78, %dma_start3A_87, %dma_start3A_88] : memref<8x512x4096xf32, #tpu.memory_space<hbm>> -> memref<1x256x4096xf32, #tpu.memory_space<hbm>>
    %dma_start3A_90 = tpu.memref_squeeze %dma_start3A_89 : memref<1x256x4096xf32, #tpu.memory_space<hbm>> -> memref<256x4096xf32, #tpu.memory_space<hbm>>
    tpu.enqueue_dma source(%dma_start3A_90 : memref<256x4096xf32, #tpu.memory_space<hbm>>) target(%dma_start3A_86 : memref<256x4096xf32, #tpu.memory_space<vmem>>) target_semaphore(%dma_start3A_82 : memref<!tpu.dma_semaphore, #tpu.memory_space<semaphore_mem>>)
    %dma_wait3A_91 = arith.constant 0 : i32
    %dma_wait3A_92 = arith.constant 1 : i32
    %dma_wait3A_93 = arith.constant 1 : i32
    %dma_wait3A_94 = tpu.memref_slice %arg4[%dma_wait3A_93] : memref<4x!tpu.dma_semaphore, #tpu.memory_space<semaphore_mem>> -> memref<1x!tpu.dma_semaphore, #tpu.memory_space<semaphore_mem>>
    %dma_wait3A_95 = tpu.memref_squeeze %dma_wait3A_94 : memref<1x!tpu.dma_semaphore, #tpu.memory_space<semaphore_mem>> -> memref<!tpu.dma_semaphore, #tpu.memory_space<semaphore_mem>>
    %dma_wait3A_96 = arith.constant 0 : i32
    %dma_wait3A_97 = arith.constant 0 : i32
    %dma_wait3A_98 = tpu.memref_slice %arg3[%dma_wait3A_92, %dma_wait3A_96, %dma_wait3A_97] : memref<4x256x4096xf32, #tpu.memory_space<vmem>> -> memref<1x256x4096xf32, #tpu.memory_space<vmem>>
    %dma_wait3A_99 = tpu.memref_squeeze %dma_wait3A_98 : memref<1x256x4096xf32, #tpu.memory_space<vmem>> -> memref<256x4096xf32, #tpu.memory_space<vmem>>
    %dma_wait3A_100 = arith.constant 256 : i32
    %dma_wait3A_101 = arith.constant 0 : i32
    %dma_wait3A_102 = tpu.memref_slice %arg1[%dma_wait3A_91, %dma_wait3A_100, %dma_wait3A_101] : memref<8x512x4096xf32, #tpu.memory_space<hbm>> -> memref<1x256x4096xf32, #tpu.memory_space<hbm>>
    %dma_wait3A_103 = tpu.memref_squeeze %dma_wait3A_102 : memref<1x256x4096xf32, #tpu.memory_space<hbm>> -> memref<256x4096xf32, #tpu.memory_space<hbm>>
    tpu.wait_dma2 semaphore(%dma_wait3A_95 : memref<!tpu.dma_semaphore, #tpu.memory_space<semaphore_mem>>) src(%dma_wait3A_103 : memref<256x4096xf32, #tpu.memory_space<hbm>>) dst(%dma_wait3A_99 : memref<256x4096xf32, #tpu.memory_space<vmem>>)
    %get3A_104 = arith.constant 0 : index
    %get3A_105 = arith.constant 0 : index
    %get3A_106 = arith.constant 0 : index
    %get3A_107 = vector.load %arg0[%get3A_104, %get3A_105, %get3A_106] : memref<8x2x4096xf32, #tpu.memory_space<vmem>>, vector<1x2x4096xf32>
    %get3A_108 = vector.shape_cast %get3A_107 : vector<1x2x4096xf32> to vector<2x4096xf32>
    %get3A_109 = arith.constant 1 : index
    %get3A_110 = arith.constant 0 : index
    %get3A_111 = arith.constant 0 : index
    %get3A_112 = vector.load %arg3[%get3A_109, %get3A_110, %get3A_111] : memref<4x256x4096xf32, #tpu.memory_space<vmem>>, vector<1x256x4096xf32>
    %get3A_113 = vector.shape_cast %get3A_112 : vector<1x256x4096xf32> to vector<256x4096xf32>
    %dot_general3A_114 = arith.constant dense<0.000000e+00> : vector<2x256xf32>
    %dot_general3A_115 = tpu.matmul %get3A_108, %get3A_113, %dot_general3A_114 {dimension_numbers = #tpu.dot_dimension_numbers<[1], [1], [0], [0], [0, 0, 1, 0], [], []>, transpose_lhs_hint = false} : vector<2x4096xf32>, vector<256x4096xf32>, vector<2x256xf32> -> vector<2x256xf32>
    %swap3A_116 = arith.constant 0 : index
    %swap3A_117 = arith.constant 0 : index
    %swap3A_118 = arith.constant 256 : index
    %swap3A_119 = vector.load %arg2[%swap3A_116, %swap3A_117, %swap3A_118] : memref<8x2x512xf32, #tpu.memory_space<vmem>>, vector<1x2x256xf32>
    %swap3A_120 = vector.shape_cast %swap3A_119 : vector<1x2x256xf32> to vector<2x256xf32>
    %swap3A_121 = vector.shape_cast %dot_general3A_115 : vector<2x256xf32> to vector<1x2x256xf32>
    tpu.vector_store %arg2[%swap3A_116, %swap3A_117, %swap3A_118], %swap3A_121 {strides = array<i32>} : memref<8x2x512xf32, #tpu.memory_space<vmem>>, vector<1x2x256xf32>,
    %dma_start3A_122 = arith.constant 2 : i32
    %dma_start3A_123 = arith.constant 1 : i32
    %dma_start3A_124 = arith.constant 1 : i32
    %dma_start3A_125 = tpu.memref_slice %arg4[%dma_start3A_124] : memref<4x!tpu.dma_semaphore, #tpu.memory_space<semaphore_mem>> -> memref<1x!tpu.dma_semaphore, #tpu.memory_space<semaphore_mem>>
    %dma_start3A_126 = tpu.memref_squeeze %dma_start3A_125 : memref<1x!tpu.dma_semaphore, #tpu.memory_space<semaphore_mem>> -> memref<!tpu.dma_semaphore, #tpu.memory_space<semaphore_mem>>
    %dma_start3A_127 = arith.constant 0 : i32
    %dma_start3A_128 = arith.constant 0 : i32
    %dma_start3A_129 = tpu.memref_slice %arg3[%dma_start3A_123, %dma_start3A_127, %dma_start3A_128] : memref<4x256x4096xf32, #tpu.memory_space<vmem>> -> memref<1x256x4096xf32, #tpu.memory_space<vmem>>
    %dma_start3A_130 = tpu.memref_squeeze %dma_start3A_129 : memref<1x256x4096xf32, #tpu.memory_space<vmem>> -> memref<256x4096xf32, #tpu.memory_space<vmem>>
    %dma_start3A_131 = arith.constant 256 : i32
    %dma_start3A_132 = arith.constant 0 : i32
    %dma_start3A_133 = tpu.memref_slice %arg1[%dma_start3A_122, %dma_start3A_131, %dma_start3A_132] : memref<8x512x4096xf32, #tpu.memory_space<hbm>> -> memref<1x256x4096xf32, #tpu.memory_space<hbm>>
    %dma_start3A_134 = tpu.memref_squeeze %dma_start3A_133 : memref<1x256x4096xf32, #tpu.memory_space<hbm>> -> memref<256x4096xf32, #tpu.memory_space<hbm>>
    tpu.enqueue_dma source(%dma_start3A_134 : memref<256x4096xf32, #tpu.memory_space<hbm>>) target(%dma_start3A_130 : memref<256x4096xf32, #tpu.memory_space<vmem>>) target_semaphore(%dma_start3A_126 : memref<!tpu.dma_semaphore, #tpu.memory_space<semaphore_mem>>)
    %dma_wait3A_135 = arith.constant 1 : i32
    %dma_wait3A_136 = arith.constant 2 : i32
    %dma_wait3A_137 = arith.constant 2 : i32
    %dma_wait3A_138 = tpu.memref_slice %arg4[%dma_wait3A_137] : memref<4x!tpu.dma_semaphore, #tpu.memory_space<semaphore_mem>> -> memref<1x!tpu.dma_semaphore, #tpu.memory_space<semaphore_mem>>
    %dma_wait3A_139 = tpu.memref_squeeze %dma_wait3A_138 : memref<1x!tpu.dma_semaphore, #tpu.memory_space<semaphore_mem>> -> memref<!tpu.dma_semaphore, #tpu.memory_space<semaphore_mem>>
    %dma_wait3A_140 = arith.constant 0 : i32
    %dma_wait3A_141 = arith.constant 0 : i32
    %dma_wait3A_142 = tpu.memref_slice %arg3[%dma_wait3A_136, %dma_wait3A_140, %dma_wait3A_141] : memref<4x256x4096xf32, #tpu.memory_space<vmem>> -> memref<1x256x4096xf32, #tpu.memory_space<vmem>>
    %dma_wait3A_143 = tpu.memref_squeeze %dma_wait3A_142 : memref<1x256x4096xf32, #tpu.memory_space<vmem>> -> memref<256x4096xf32, #tpu.memory_space<vmem>>
    %dma_wait3A_144 = arith.constant 0 : i32
    %dma_wait3A_145 = arith.constant 0 : i32
    %dma_wait3A_146 = tpu.memref_slice %arg1[%dma_wait3A_135, %dma_wait3A_144, %dma_wait3A_145] : memref<8x512x4096xf32, #tpu.memory_space<hbm>> -> memref<1x256x4096xf32, #tpu.memory_space<hbm>>
    %dma_wait3A_147 = tpu.memref_squeeze %dma_wait3A_146 : memref<1x256x4096xf32, #tpu.memory_space<hbm>> -> memref<256x4096xf32, #tpu.memory_space<hbm>>
    tpu.wait_dma2 semaphore(%dma_wait3A_139 : memref<!tpu.dma_semaphore, #tpu.memory_space<semaphore_mem>>) src(%dma_wait3A_147 : memref<256x4096xf32, #tpu.memory_space<hbm>>) dst(%dma_wait3A_143 : memref<256x4096xf32, #tpu.memory_space<vmem>>)
    %get3A_148 = arith.constant 1 : index
    %get3A_149 = arith.constant 0 : index
    %get3A_150 = arith.constant 0 : index
    %get3A_151 = vector.load %arg0[%get3A_148, %get3A_149, %get3A_150] : memref<8x2x4096xf32, #tpu.memory_space<vmem>>, vector<1x2x4096xf32>
    %get3A_152 = vector.shape_cast %get3A_151 : vector<1x2x4096xf32> to vector<2x4096xf32>
    %get3A_153 = arith.constant 2 : index
    %get3A_154 = arith.constant 0 : index
    %get3A_155 = arith.constant 0 : index
    %get3A_156 = vector.load %arg3[%get3A_153, %get3A_154, %get3A_155] : memref<4x256x4096xf32, #tpu.memory_space<vmem>>, vector<1x256x4096xf32>
    %get3A_157 = vector.shape_cast %get3A_156 : vector<1x256x4096xf32> to vector<256x4096xf32>
    %dot_general3A_158 = arith.constant dense<0.000000e+00> : vector<2x256xf32>
    %dot_general3A_159 = tpu.matmul %get3A_152, %get3A_157, %dot_general3A_158 {dimension_numbers = #tpu.dot_dimension_numbers<[1], [1], [0], [0], [0, 0, 1, 0], [], []>, transpose_lhs_hint = false} : vector<2x4096xf32>, vector<256x4096xf32>, vector<2x256xf32> -> vector<2x256xf32>
    %swap3A_160 = arith.constant 1 : index
    %swap3A_161 = arith.constant 0 : index
    %swap3A_162 = arith.constant 0 : index
    %swap3A_163 = vector.load %arg2[%swap3A_160, %swap3A_161, %swap3A_162] : memref<8x2x512xf32, #tpu.memory_space<vmem>>, vector<1x2x256xf32>
    %swap3A_164 = vector.shape_cast %swap3A_163 : vector<1x2x256xf32> to vector<2x256xf32>
    %swap3A_165 = vector.shape_cast %dot_general3A_159 : vector<2x256xf32> to vector<1x2x256xf32>
    tpu.vector_store %arg2[%swap3A_160, %swap3A_161, %swap3A_162], %swap3A_165 {strides = array<i32>} : memref<8x2x512xf32, #tpu.memory_space<vmem>>, vector<1x2x256xf32>,
    %dma_start3A_166 = arith.constant 3 : i32
    %dma_start3A_167 = arith.constant 2 : i32
    %dma_start3A_168 = arith.constant 2 : i32
    %dma_start3A_169 = tpu.memref_slice %arg4[%dma_start3A_168] : memref<4x!tpu.dma_semaphore, #tpu.memory_space<semaphore_mem>> -> memref<1x!tpu.dma_semaphore, #tpu.memory_space<semaphore_mem>>
    %dma_start3A_170 = tpu.memref_squeeze %dma_start3A_169 : memref<1x!tpu.dma_semaphore, #tpu.memory_space<semaphore_mem>> -> memref<!tpu.dma_semaphore, #tpu.memory_space<semaphore_mem>>
    %dma_start3A_171 = arith.constant 0 : i32
    %dma_start3A_172 = arith.constant 0 : i32
    %dma_start3A_173 = tpu.memref_slice %arg3[%dma_start3A_167, %dma_start3A_171, %dma_start3A_172] : memref<4x256x4096xf32, #tpu.memory_space<vmem>> -> memref<1x256x4096xf32, #tpu.memory_space<vmem>>
    %dma_start3A_174 = tpu.memref_squeeze %dma_start3A_173 : memref<1x256x4096xf32, #tpu.memory_space<vmem>> -> memref<256x4096xf32, #tpu.memory_space<vmem>>
    %dma_start3A_175 = arith.constant 0 : i32
    %dma_start3A_176 = arith.constant 0 : i32
    %dma_start3A_177 = tpu.memref_slice %arg1[%dma_start3A_166, %dma_start3A_175, %dma_start3A_176] : memref<8x512x4096xf32, #tpu.memory_space<hbm>> -> memref<1x256x4096xf32, #tpu.memory_space<hbm>>
    %dma_start3A_178 = tpu.memref_squeeze %dma_start3A_177 : memref<1x256x4096xf32, #tpu.memory_space<hbm>> -> memref<256x4096xf32, #tpu.memory_space<hbm>>
    tpu.enqueue_dma source(%dma_start3A_178 : memref<256x4096xf32, #tpu.memory_space<hbm>>) target(%dma_start3A_174 : memref<256x4096xf32, #tpu.memory_space<vmem>>) target_semaphore(%dma_start3A_170 : memref<!tpu.dma_semaphore, #tpu.memory_space<semaphore_mem>>)
    %dma_wait3A_179 = arith.constant 1 : i32
    %dma_wait3A_180 = arith.constant 3 : i32
    %dma_wait3A_181 = arith.constant 3 : i32
    %dma_wait3A_182 = tpu.memref_slice %arg4[%dma_wait3A_181] : memref<4x!tpu.dma_semaphore, #tpu.memory_space<semaphore_mem>> -> memref<1x!tpu.dma_semaphore, #tpu.memory_space<semaphore_mem>>
    %dma_wait3A_183 = tpu.memref_squeeze %dma_wait3A_182 : memref<1x!tpu.dma_semaphore, #tpu.memory_space<semaphore_mem>> -> memref<!tpu.dma_semaphore, #tpu.memory_space<semaphore_mem>>
    %dma_wait3A_184 = arith.constant 0 : i32
    %dma_wait3A_185 = arith.constant 0 : i32
    %dma_wait3A_186 = tpu.memref_slice %arg3[%dma_wait3A_180, %dma_wait3A_184, %dma_wait3A_185] : memref<4x256x4096xf32, #tpu.memory_space<vmem>> -> memref<1x256x4096xf32, #tpu.memory_space<vmem>>
    %dma_wait3A_187 = tpu.memref_squeeze %dma_wait3A_186 : memref<1x256x4096xf32, #tpu.memory_space<vmem>> -> memref<256x4096xf32, #tpu.memory_space<vmem>>
    %dma_wait3A_188 = arith.constant 256 : i32
    %dma_wait3A_189 = arith.constant 0 : i32
    %dma_wait3A_190 = tpu.memref_slice %arg1[%dma_wait3A_179, %dma_wait3A_188, %dma_wait3A_189] : memref<8x512x4096xf32, #tpu.memory_space<hbm>> -> memref<1x256x4096xf32, #tpu.memory_space<hbm>>
    %dma_wait3A_191 = tpu.memref_squeeze %dma_wait3A_190 : memref<1x256x4096xf32, #tpu.memory_space<hbm>> -> memref<256x4096xf32, #tpu.memory_space<hbm>>
    tpu.wait_dma2 semaphore(%dma_wait3A_183 : memref<!tpu.dma_semaphore, #tpu.memory_space<semaphore_mem>>) src(%dma_wait3A_191 : memref<256x4096xf32, #tpu.memory_space<hbm>>) dst(%dma_wait3A_187 : memref<256x4096xf32, #tpu.memory_space<vmem>>)
    %get3A_192 = arith.constant 1 : index
    %get3A_193 = arith.constant 0 : index
    %get3A_194 = arith.constant 0 : index
    %get3A_195 = vector.load %arg0[%get3A_192, %get3A_193, %get3A_194] : memref<8x2x4096xf32, #tpu.memory_space<vmem>>, vector<1x2x4096xf32>
    %get3A_196 = vector.shape_cast %get3A_195 : vector<1x2x4096xf32> to vector<2x4096xf32>
    %get3A_197 = arith.constant 3 : index
    %get3A_198 = arith.constant 0 : index
    %get3A_199 = arith.constant 0 : index
    %get3A_200 = vector.load %arg3[%get3A_197, %get3A_198, %get3A_199] : memref<4x256x4096xf32, #tpu.memory_space<vmem>>, vector<1x256x4096xf32>
    %get3A_201 = vector.shape_cast %get3A_200 : vector<1x256x4096xf32> to vector<256x4096xf32>
    %dot_general3A_202 = arith.constant dense<0.000000e+00> : vector<2x256xf32>
    %dot_general3A_203 = tpu.matmul %get3A_196, %get3A_201, %dot_general3A_202 {dimension_numbers = #tpu.dot_dimension_numbers<[1], [1], [0], [0], [0, 0, 1, 0], [], []>, transpose_lhs_hint = false} : vector<2x4096xf32>, vector<256x4096xf32>, vector<2x256xf32> -> vector<2x256xf32>
    %swap3A_204 = arith.constant 1 : index
    %swap3A_205 = arith.constant 0 : index
    %swap3A_206 = arith.constant 256 : index
    %swap3A_207 = vector.load %arg2[%swap3A_204, %swap3A_205, %swap3A_206] : memref<8x2x512xf32, #tpu.memory_space<vmem>>, vector<1x2x256xf32>
    %swap3A_208 = vector.shape_cast %swap3A_207 : vector<1x2x256xf32> to vector<2x256xf32>
    %swap3A_209 = vector.shape_cast %dot_general3A_203 : vector<2x256xf32> to vector<1x2x256xf32>
    tpu.vector_store %arg2[%swap3A_204, %swap3A_205, %swap3A_206], %swap3A_209 {strides = array<i32>} : memref<8x2x512xf32, #tpu.memory_space<vmem>>, vector<1x2x256xf32>,
    %dma_start3A_210 = arith.constant 3 : i32
    %dma_start3A_211 = arith.constant 3 : i32
    %dma_start3A_212 = arith.constant 3 : i32
    %dma_start3A_213 = tpu.memref_slice %arg4[%dma_start3A_212] : memref<4x!tpu.dma_semaphore, #tpu.memory_space<semaphore_mem>> -> memref<1x!tpu.dma_semaphore, #tpu.memory_space<semaphore_mem>>
    %dma_start3A_214 = tpu.memref_squeeze %dma_start3A_213 : memref<1x!tpu.dma_semaphore, #tpu.memory_space<semaphore_mem>> -> memref<!tpu.dma_semaphore, #tpu.memory_space<semaphore_mem>>
    %dma_start3A_215 = arith.constant 0 : i32
    %dma_start3A_216 = arith.constant 0 : i32
    %dma_start3A_217 = tpu.memref_slice %arg3[%dma_start3A_211, %dma_start3A_215, %dma_start3A_216] : memref<4x256x4096xf32, #tpu.memory_space<vmem>> -> memref<1x256x4096xf32, #tpu.memory_space<vmem>>
    %dma_start3A_218 = tpu.memref_squeeze %dma_start3A_217 : memref<1x256x4096xf32, #tpu.memory_space<vmem>> -> memref<256x4096xf32, #tpu.memory_space<vmem>>
    %dma_start3A_219 = arith.constant 256 : i32
    %dma_start3A_220 = arith.constant 0 : i32
    %dma_start3A_221 = tpu.memref_slice %arg1[%dma_start3A_210, %dma_start3A_219, %dma_start3A_220] : memref<8x512x4096xf32, #tpu.memory_space<hbm>> -> memref<1x256x4096xf32, #tpu.memory_space<hbm>>
    %dma_start3A_222 = tpu.memref_squeeze %dma_start3A_221 : memref<1x256x4096xf32, #tpu.memory_space<hbm>> -> memref<256x4096xf32, #tpu.memory_space<hbm>>
    tpu.enqueue_dma source(%dma_start3A_222 : memref<256x4096xf32, #tpu.memory_space<hbm>>) target(%dma_start3A_218 : memref<256x4096xf32, #tpu.memory_space<vmem>>) target_semaphore(%dma_start3A_214 : memref<!tpu.dma_semaphore, #tpu.memory_space<semaphore_mem>>)
    %dma_wait3A_223 = arith.constant 2 : i32
    %dma_wait3A_224 = arith.constant 0 : i32
    %dma_wait3A_225 = arith.constant 0 : i32
    %dma_wait3A_226 = tpu.memref_slice %arg4[%dma_wait3A_225] : memref<4x!tpu.dma_semaphore, #tpu.memory_space<semaphore_mem>> -> memref<1x!tpu.dma_semaphore, #tpu.memory_space<semaphore_mem>>
    %dma_wait3A_227 = tpu.memref_squeeze %dma_wait3A_226 : memref<1x!tpu.dma_semaphore, #tpu.memory_space<semaphore_mem>> -> memref<!tpu.dma_semaphore, #tpu.memory_space<semaphore_mem>>
    %dma_wait3A_228 = arith.constant 0 : i32
    %dma_wait3A_229 = arith.constant 0 : i32
    %dma_wait3A_230 = tpu.memref_slice %arg3[%dma_wait3A_224, %dma_wait3A_228, %dma_wait3A_229] : memref<4x256x4096xf32, #tpu.memory_space<vmem>> -> memref<1x256x4096xf32, #tpu.memory_space<vmem>>
    %dma_wait3A_231 = tpu.memref_squeeze %dma_wait3A_230 : memref<1x256x4096xf32, #tpu.memory_space<vmem>> -> memref<256x4096xf32, #tpu.memory_space<vmem>>
    %dma_wait3A_232 = arith.constant 0 : i32
    %dma_wait3A_233 = arith.constant 0 : i32
    %dma_wait3A_234 = tpu.memref_slice %arg1[%dma_wait3A_223, %dma_wait3A_232, %dma_wait3A_233] : memref<8x512x4096xf32, #tpu.memory_space<hbm>> -> memref<1x256x4096xf32, #tpu.memory_space<hbm>>
    %dma_wait3A_235 = tpu.memref_squeeze %dma_wait3A_234 : memref<1x256x4096xf32, #tpu.memory_space<hbm>> -> memref<256x4096xf32, #tpu.memory_space<hbm>>
    tpu.wait_dma2 semaphore(%dma_wait3A_227 : memref<!tpu.dma_semaphore, #tpu.memory_space<semaphore_mem>>) src(%dma_wait3A_235 : memref<256x4096xf32, #tpu.memory_space<hbm>>) dst(%dma_wait3A_231 : memref<256x4096xf32, #tpu.memory_space<vmem>>)
    %get3A_236 = arith.constant 2 : index
    %get3A_237 = arith.constant 0 : index
    %get3A_238 = arith.constant 0 : index
    %get3A_239 = vector.load %arg0[%get3A_236, %get3A_237, %get3A_238] : memref<8x2x4096xf32, #tpu.memory_space<vmem>>, vector<1x2x4096xf32>
    %get3A_240 = vector.shape_cast %get3A_239 : vector<1x2x4096xf32> to vector<2x4096xf32>
    %get3A_241 = arith.constant 0 : index
    %get3A_242 = arith.constant 0 : index
    %get3A_243 = arith.constant 0 : index
    %get3A_244 = vector.load %arg3[%get3A_241, %get3A_242, %get3A_243] : memref<4x256x4096xf32, #tpu.memory_space<vmem>>, vector<1x256x4096xf32>
    %get3A_245 = vector.shape_cast %get3A_244 : vector<1x256x4096xf32> to vector<256x4096xf32>
    %dot_general3A_246 = arith.constant dense<0.000000e+00> : vector<2x256xf32>
    %dot_general3A_247 = tpu.matmul %get3A_240, %get3A_245, %dot_general3A_246 {dimension_numbers = #tpu.dot_dimension_numbers<[1], [1], [0], [0], [0, 0, 1, 0], [], []>, transpose_lhs_hint = false} : vector<2x4096xf32>, vector<256x4096xf32>, vector<2x256xf32> -> vector<2x256xf32>
    %swap3A_248 = arith.constant 2 : index
    %swap3A_249 = arith.constant 0 : index
    %swap3A_250 = arith.constant 0 : index
    %swap3A_251 = vector.load %arg2[%swap3A_248, %swap3A_249, %swap3A_250] : memref<8x2x512xf32, #tpu.memory_space<vmem>>, vector<1x2x256xf32>
    %swap3A_252 = vector.shape_cast %swap3A_251 : vector<1x2x256xf32> to vector<2x256xf32>
    %swap3A_253 = vector.shape_cast %dot_general3A_247 : vector<2x256xf32> to vector<1x2x256xf32>
    tpu.vector_store %arg2[%swap3A_248, %swap3A_249, %swap3A_250], %swap3A_253 {strides = array<i32>} : memref<8x2x512xf32, #tpu.memory_space<vmem>>, vector<1x2x256xf32>,
    %dma_start3A_254 = arith.constant 4 : i32
    %dma_start3A_255 = arith.constant 0 : i32
    %dma_start3A_256 = arith.constant 0 : i32
    %dma_start3A_257 = tpu.memref_slice %arg4[%dma_start3A_256] : memref<4x!tpu.dma_semaphore, #tpu.memory_space<semaphore_mem>> -> memref<1x!tpu.dma_semaphore, #tpu.memory_space<semaphore_mem>>
    %dma_start3A_258 = tpu.memref_squeeze %dma_start3A_257 : memref<1x!tpu.dma_semaphore, #tpu.memory_space<semaphore_mem>> -> memref<!tpu.dma_semaphore, #tpu.memory_space<semaphore_mem>>
    %dma_start3A_259 = arith.constant 0 : i32
    %dma_start3A_260 = arith.constant 0 : i32
    %dma_start3A_261 = tpu.memref_slice %arg3[%dma_start3A_255, %dma_start3A_259, %dma_start3A_260] : memref<4x256x4096xf32, #tpu.memory_space<vmem>> -> memref<1x256x4096xf32, #tpu.memory_space<vmem>>
    %dma_start3A_262 = tpu.memref_squeeze %dma_start3A_261 : memref<1x256x4096xf32, #tpu.memory_space<vmem>> -> memref<256x4096xf32, #tpu.memory_space<vmem>>
    %dma_start3A_263 = arith.constant 0 : i32
    %dma_start3A_264 = arith.constant 0 : i32
    %dma_start3A_265 = tpu.memref_slice %arg1[%dma_start3A_254, %dma_start3A_263, %dma_start3A_264] : memref<8x512x4096xf32, #tpu.memory_space<hbm>> -> memref<1x256x4096xf32, #tpu.memory_space<hbm>>
    %dma_start3A_266 = tpu.memref_squeeze %dma_start3A_265 : memref<1x256x4096xf32, #tpu.memory_space<hbm>> -> memref<256x4096xf32, #tpu.memory_space<hbm>>
    tpu.enqueue_dma source(%dma_start3A_266 : memref<256x4096xf32, #tpu.memory_space<hbm>>) target(%dma_start3A_262 : memref<256x4096xf32, #tpu.memory_space<vmem>>) target_semaphore(%dma_start3A_258 : memref<!tpu.dma_semaphore, #tpu.memory_space<semaphore_mem>>)
    %dma_wait3A_267 = arith.constant 2 : i32
    %dma_wait3A_268 = arith.constant 1 : i32
    %dma_wait3A_269 = arith.constant 1 : i32
    %dma_wait3A_270 = tpu.memref_slice %arg4[%dma_wait3A_269] : memref<4x!tpu.dma_semaphore, #tpu.memory_space<semaphore_mem>> -> memref<1x!tpu.dma_semaphore, #tpu.memory_space<semaphore_mem>>
    %dma_wait3A_271 = tpu.memref_squeeze %dma_wait3A_270 : memref<1x!tpu.dma_semaphore, #tpu.memory_space<semaphore_mem>> -> memref<!tpu.dma_semaphore, #tpu.memory_space<semaphore_mem>>
    %dma_wait3A_272 = arith.constant 0 : i32
    %dma_wait3A_273 = arith.constant 0 : i32
    %dma_wait3A_274 = tpu.memref_slice %arg3[%dma_wait3A_268, %dma_wait3A_272, %dma_wait3A_273] : memref<4x256x4096xf32, #tpu.memory_space<vmem>> -> memref<1x256x4096xf32, #tpu.memory_space<vmem>>
    %dma_wait3A_275 = tpu.memref_squeeze %dma_wait3A_274 : memref<1x256x4096xf32, #tpu.memory_space<vmem>> -> memref<256x4096xf32, #tpu.memory_space<vmem>>
    %dma_wait3A_276 = arith.constant 256 : i32
    %dma_wait3A_277 = arith.constant 0 : i32
    %dma_wait3A_278 = tpu.memref_slice %arg1[%dma_wait3A_267, %dma_wait3A_276, %dma_wait3A_277] : memref<8x512x4096xf32, #tpu.memory_space<hbm>> -> memref<1x256x4096xf32, #tpu.memory_space<hbm>>
    %dma_wait3A_279 = tpu.memref_squeeze %dma_wait3A_278 : memref<1x256x4096xf32, #tpu.memory_space<hbm>> -> memref<256x4096xf32, #tpu.memory_space<hbm>>
    tpu.wait_dma2 semaphore(%dma_wait3A_271 : memref<!tpu.dma_semaphore, #tpu.memory_space<semaphore_mem>>) src(%dma_wait3A_279 : memref<256x4096xf32, #tpu.memory_space<hbm>>) dst(%dma_wait3A_275 : memref<256x4096xf32, #tpu.memory_space<vmem>>)
    %get3A_280 = arith.constant 2 : index
    %get3A_281 = arith.constant 0 : index
    %get3A_282 = arith.constant 0 : index
    %get3A_283 = vector.load %arg0[%get3A_280, %get3A_281, %get3A_282] : memref<8x2x4096xf32, #tpu.memory_space<vmem>>, vector<1x2x4096xf32>
    %get3A_284 = vector.shape_cast %get3A_283 : vector<1x2x4096xf32> to vector<2x4096xf32>
    %get3A_285 = arith.constant 1 : index
    %get3A_286 = arith.constant 0 : index
    %get3A_287 = arith.constant 0 : index
    %get3A_288 = vector.load %arg3[%get3A_285, %get3A_286, %get3A_287] : memref<4x256x4096xf32, #tpu.memory_space<vmem>>, vector<1x256x4096xf32>
    %get3A_289 = vector.shape_cast %get3A_288 : vector<1x256x4096xf32> to vector<256x4096xf32>
    %dot_general3A_290 = arith.constant dense<0.000000e+00> : vector<2x256xf32>
    %dot_general3A_291 = tpu.matmul %get3A_284, %get3A_289, %dot_general3A_290 {dimension_numbers = #tpu.dot_dimension_numbers<[1], [1], [0], [0], [0, 0, 1, 0], [], []>, transpose_lhs_hint = false} : vector<2x4096xf32>, vector<256x4096xf32>, vector<2x256xf32> -> vector<2x256xf32>
    %swap3A_292 = arith.constant 2 : index
    %swap3A_293 = arith.constant 0 : index
    %swap3A_294 = arith.constant 256 : index
    %swap3A_295 = vector.load %arg2[%swap3A_292, %swap3A_293, %swap3A_294] : memref<8x2x512xf32, #tpu.memory_space<vmem>>, vector<1x2x256xf32>
    %swap3A_296 = vector.shape_cast %swap3A_295 : vector<1x2x256xf32> to vector<2x256xf32>
    %swap3A_297 = vector.shape_cast %dot_general3A_291 : vector<2x256xf32> to vector<1x2x256xf32>
    tpu.vector_store %arg2[%swap3A_292, %swap3A_293, %swap3A_294], %swap3A_297 {strides = array<i32>} : memref<8x2x512xf32, #tpu.memory_space<vmem>>, vector<1x2x256xf32>,
    %dma_start3A_298 = arith.constant 4 : i32
    %dma_start3A_299 = arith.constant 1 : i32
    %dma_start3A_300 = arith.constant 1 : i32
    %dma_start3A_301 = tpu.memref_slice %arg4[%dma_start3A_300] : memref<4x!tpu.dma_semaphore, #tpu.memory_space<semaphore_mem>> -> memref<1x!tpu.dma_semaphore, #tpu.memory_space<semaphore_mem>>
    %dma_start3A_302 = tpu.memref_squeeze %dma_start3A_301 : memref<1x!tpu.dma_semaphore, #tpu.memory_space<semaphore_mem>> -> memref<!tpu.dma_semaphore, #tpu.memory_space<semaphore_mem>>
    %dma_start3A_303 = arith.constant 0 : i32
    %dma_start3A_304 = arith.constant 0 : i32
    %dma_start3A_305 = tpu.memref_slice %arg3[%dma_start3A_299, %dma_start3A_303, %dma_start3A_304] : memref<4x256x4096xf32, #tpu.memory_space<vmem>> -> memref<1x256x4096xf32, #tpu.memory_space<vmem>>
    %dma_start3A_306 = tpu.memref_squeeze %dma_start3A_305 : memref<1x256x4096xf32, #tpu.memory_space<vmem>> -> memref<256x4096xf32, #tpu.memory_space<vmem>>
    %dma_start3A_307 = arith.constant 256 : i32
    %dma_start3A_308 = arith.constant 0 : i32
    %dma_start3A_309 = tpu.memref_slice %arg1[%dma_start3A_298, %dma_start3A_307, %dma_start3A_308] : memref<8x512x4096xf32, #tpu.memory_space<hbm>> -> memref<1x256x4096xf32, #tpu.memory_space<hbm>>
    %dma_start3A_310 = tpu.memref_squeeze %dma_start3A_309 : memref<1x256x4096xf32, #tpu.memory_space<hbm>> -> memref<256x4096xf32, #tpu.memory_space<hbm>>
    tpu.enqueue_dma source(%dma_start3A_310 : memref<256x4096xf32, #tpu.memory_space<hbm>>) target(%dma_start3A_306 : memref<256x4096xf32, #tpu.memory_space<vmem>>) target_semaphore(%dma_start3A_302 : memref<!tpu.dma_semaphore, #tpu.memory_space<semaphore_mem>>)
    %dma_wait3A_311 = arith.constant 3 : i32
    %dma_wait3A_312 = arith.constant 2 : i32
    %dma_wait3A_313 = arith.constant 2 : i32
    %dma_wait3A_314 = tpu.memref_slice %arg4[%dma_wait3A_313] : memref<4x!tpu.dma_semaphore, #tpu.memory_space<semaphore_mem>> -> memref<1x!tpu.dma_semaphore, #tpu.memory_space<semaphore_mem>>
    %dma_wait3A_315 = tpu.memref_squeeze %dma_wait3A_314 : memref<1x!tpu.dma_semaphore, #tpu.memory_space<semaphore_mem>> -> memref<!tpu.dma_semaphore, #tpu.memory_space<semaphore_mem>>
    %dma_wait3A_316 = arith.constant 0 : i32
    %dma_wait3A_317 = arith.constant 0 : i32
    %dma_wait3A_318 = tpu.memref_slice %arg3[%dma_wait3A_312, %dma_wait3A_316, %dma_wait3A_317] : memref<4x256x4096xf32, #tpu.memory_space<vmem>> -> memref<1x256x4096xf32, #tpu.memory_space<vmem>>
    %dma_wait3A_319 = tpu.memref_squeeze %dma_wait3A_318 : memref<1x256x4096xf32, #tpu.memory_space<vmem>> -> memref<256x4096xf32, #tpu.memory_space<vmem>>
    %dma_wait3A_320 = arith.constant 0 : i32
    %dma_wait3A_321 = arith.constant 0 : i32
    %dma_wait3A_322 = tpu.memref_slice %arg1[%dma_wait3A_311, %dma_wait3A_320, %dma_wait3A_321] : memref<8x512x4096xf32, #tpu.memory_space<hbm>> -> memref<1x256x4096xf32, #tpu.memory_space<hbm>>
    %dma_wait3A_323 = tpu.memref_squeeze %dma_wait3A_322 : memref<1x256x4096xf32, #tpu.memory_space<hbm>> -> memref<256x4096xf32, #tpu.memory_space<hbm>>
    tpu.wait_dma2 semaphore(%dma_wait3A_315 : memref<!tpu.dma_semaphore, #tpu.memory_space<semaphore_mem>>) src(%dma_wait3A_323 : memref<256x4096xf32, #tpu.memory_space<hbm>>) dst(%dma_wait3A_319 : memref<256x4096xf32, #tpu.memory_space<vmem>>)
    %get3A_324 = arith.constant 3 : index
    %get3A_325 = arith.constant 0 : index
    %get3A_326 = arith.constant 0 : index
    %get3A_327 = vector.load %arg0[%get3A_324, %get3A_325, %get3A_326] : memref<8x2x4096xf32, #tpu.memory_space<vmem>>, vector<1x2x4096xf32>
    %get3A_328 = vector.shape_cast %get3A_327 : vector<1x2x4096xf32> to vector<2x4096xf32>
    %get3A_329 = arith.constant 2 : index
    %get3A_330 = arith.constant 0 : index
    %get3A_331 = arith.constant 0 : index
    %get3A_332 = vector.load %arg3[%get3A_329, %get3A_330, %get3A_331] : memref<4x256x4096xf32, #tpu.memory_space<vmem>>, vector<1x256x4096xf32>
    %get3A_333 = vector.shape_cast %get3A_332 : vector<1x256x4096xf32> to vector<256x4096xf32>
    %dot_general3A_334 = arith.constant dense<0.000000e+00> : vector<2x256xf32>
    %dot_general3A_335 = tpu.matmul %get3A_328, %get3A_333, %dot_general3A_334 {dimension_numbers = #tpu.dot_dimension_numbers<[1], [1], [0], [0], [0, 0, 1, 0], [], []>, transpose_lhs_hint = false} : vector<2x4096xf32>, vector<256x4096xf32>, vector<2x256xf32> -> vector<2x256xf32>
    %swap3A_336 = arith.constant 3 : index
    %swap3A_337 = arith.constant 0 : index
    %swap3A_338 = arith.constant 0 : index
    %swap3A_339 = vector.load %arg2[%swap3A_336, %swap3A_337, %swap3A_338] : memref<8x2x512xf32, #tpu.memory_space<vmem>>, vector<1x2x256xf32>
    %swap3A_340 = vector.shape_cast %swap3A_339 : vector<1x2x256xf32> to vector<2x256xf32>
    %swap3A_341 = vector.shape_cast %dot_general3A_335 : vector<2x256xf32> to vector<1x2x256xf32>
    tpu.vector_store %arg2[%swap3A_336, %swap3A_337, %swap3A_338], %swap3A_341 {strides = array<i32>} : memref<8x2x512xf32, #tpu.memory_space<vmem>>, vector<1x2x256xf32>,
    %dma_start3A_342 = arith.constant 5 : i32
    %dma_start3A_343 = arith.constant 2 : i32
    %dma_start3A_344 = arith.constant 2 : i32
    %dma_start3A_345 = tpu.memref_slice %arg4[%dma_start3A_344] : memref<4x!tpu.dma_semaphore, #tpu.memory_space<semaphore_mem>> -> memref<1x!tpu.dma_semaphore, #tpu.memory_space<semaphore_mem>>
    %dma_start3A_346 = tpu.memref_squeeze %dma_start3A_345 : memref<1x!tpu.dma_semaphore, #tpu.memory_space<semaphore_mem>> -> memref<!tpu.dma_semaphore, #tpu.memory_space<semaphore_mem>>
    %dma_start3A_347 = arith.constant 0 : i32
    %dma_start3A_348 = arith.constant 0 : i32
    %dma_start3A_349 = tpu.memref_slice %arg3[%dma_start3A_343, %dma_start3A_347, %dma_start3A_348] : memref<4x256x4096xf32, #tpu.memory_space<vmem>> -> memref<1x256x4096xf32, #tpu.memory_space<vmem>>
    %dma_start3A_350 = tpu.memref_squeeze %dma_start3A_349 : memref<1x256x4096xf32, #tpu.memory_space<vmem>> -> memref<256x4096xf32, #tpu.memory_space<vmem>>
    %dma_start3A_351 = arith.constant 0 : i32
    %dma_start3A_352 = arith.constant 0 : i32
    %dma_start3A_353 = tpu.memref_slice %arg1[%dma_start3A_342, %dma_start3A_351, %dma_start3A_352] : memref<8x512x4096xf32, #tpu.memory_space<hbm>> -> memref<1x256x4096xf32, #tpu.memory_space<hbm>>
    %dma_start3A_354 = tpu.memref_squeeze %dma_start3A_353 : memref<1x256x4096xf32, #tpu.memory_space<hbm>> -> memref<256x4096xf32, #tpu.memory_space<hbm>>
    tpu.enqueue_dma source(%dma_start3A_354 : memref<256x4096xf32, #tpu.memory_space<hbm>>) target(%dma_start3A_350 : memref<256x4096xf32, #tpu.memory_space<vmem>>) target_semaphore(%dma_start3A_346 : memref<!tpu.dma_semaphore, #tpu.memory_space<semaphore_mem>>)
    %dma_wait3A_355 = arith.constant 3 : i32
    %dma_wait3A_356 = arith.constant 3 : i32
    %dma_wait3A_357 = arith.constant 3 : i32
    %dma_wait3A_358 = tpu.memref_slice %arg4[%dma_wait3A_357] : memref<4x!tpu.dma_semaphore, #tpu.memory_space<semaphore_mem>> -> memref<1x!tpu.dma_semaphore, #tpu.memory_space<semaphore_mem>>
    %dma_wait3A_359 = tpu.memref_squeeze %dma_wait3A_358 : memref<1x!tpu.dma_semaphore, #tpu.memory_space<semaphore_mem>> -> memref<!tpu.dma_semaphore, #tpu.memory_space<semaphore_mem>>
    %dma_wait3A_360 = arith.constant 0 : i32
    %dma_wait3A_361 = arith.constant 0 : i32
    %dma_wait3A_362 = tpu.memref_slice %arg3[%dma_wait3A_356, %dma_wait3A_360, %dma_wait3A_361] : memref<4x256x4096xf32, #tpu.memory_space<vmem>> -> memref<1x256x4096xf32, #tpu.memory_space<vmem>>
    %dma_wait3A_363 = tpu.memref_squeeze %dma_wait3A_362 : memref<1x256x4096xf32, #tpu.memory_space<vmem>> -> memref<256x4096xf32, #tpu.memory_space<vmem>>
    %dma_wait3A_364 = arith.constant 256 : i32
    %dma_wait3A_365 = arith.constant 0 : i32
    %dma_wait3A_366 = tpu.memref_slice %arg1[%dma_wait3A_355, %dma_wait3A_364, %dma_wait3A_365] : memref<8x512x4096xf32, #tpu.memory_space<hbm>> -> memref<1x256x4096xf32, #tpu.memory_space<hbm>>
    %dma_wait3A_367 = tpu.memref_squeeze %dma_wait3A_366 : memref<1x256x4096xf32, #tpu.memory_space<hbm>> -> memref<256x4096xf32, #tpu.memory_space<hbm>>
    tpu.wait_dma2 semaphore(%dma_wait3A_359 : memref<!tpu.dma_semaphore, #tpu.memory_space<semaphore_mem>>) src(%dma_wait3A_367 : memref<256x4096xf32, #tpu.memory_space<hbm>>) dst(%dma_wait3A_363 : memref<256x4096xf32, #tpu.memory_space<vmem>>)
    %get3A_368 = arith.constant 3 : index
    %get3A_369 = arith.constant 0 : index
    %get3A_370 = arith.constant 0 : index
    %get3A_371 = vector.load %arg0[%get3A_368, %get3A_369, %get3A_370] : memref<8x2x4096xf32, #tpu.memory_space<vmem>>, vector<1x2x4096xf32>
    %get3A_372 = vector.shape_cast %get3A_371 : vector<1x2x4096xf32> to vector<2x4096xf32>
    %get3A_373 = arith.constant 3 : index
    %get3A_374 = arith.constant 0 : index
    %get3A_375 = arith.constant 0 : index
    %get3A_376 = vector.load %arg3[%get3A_373, %get3A_374, %get3A_375] : memref<4x256x4096xf32, #tpu.memory_space<vmem>>, vector<1x256x4096xf32>
    %get3A_377 = vector.shape_cast %get3A_376 : vector<1x256x4096xf32> to vector<256x4096xf32>
    %dot_general3A_378 = arith.constant dense<0.000000e+00> : vector<2x256xf32>
    %dot_general3A_379 = tpu.matmul %get3A_372, %get3A_377, %dot_general3A_378 {dimension_numbers = #tpu.dot_dimension_numbers<[1], [1], [0], [0], [0, 0, 1, 0], [], []>, transpose_lhs_hint = false} : vector<2x4096xf32>, vector<256x4096xf32>, vector<2x256xf32> -> vector<2x256xf32>
    %swap3A_380 = arith.constant 3 : index
    %swap3A_381 = arith.constant 0 : index
    %swap3A_382 = arith.constant 256 : index
    %swap3A_383 = vector.load %arg2[%swap3A_380, %swap3A_381, %swap3A_382] : memref<8x2x512xf32, #tpu.memory_space<vmem>>, vector<1x2x256xf32>
    %swap3A_384 = vector.shape_cast %swap3A_383 : vector<1x2x256xf32> to vector<2x256xf32>
    %swap3A_385 = vector.shape_cast %dot_general3A_379 : vector<2x256xf32> to vector<1x2x256xf32>
    tpu.vector_store %arg2[%swap3A_380, %swap3A_381, %swap3A_382], %swap3A_385 {strides = array<i32>} : memref<8x2x512xf32, #tpu.memory_space<vmem>>, vector<1x2x256xf32>,
    %dma_start3A_386 = arith.constant 5 : i32
    %dma_start3A_387 = arith.constant 3 : i32
    %dma_start3A_388 = arith.constant 3 : i32
    %dma_start3A_389 = tpu.memref_slice %arg4[%dma_start3A_388] : memref<4x!tpu.dma_semaphore, #tpu.memory_space<semaphore_mem>> -> memref<1x!tpu.dma_semaphore, #tpu.memory_space<semaphore_mem>>
    %dma_start3A_390 = tpu.memref_squeeze %dma_start3A_389 : memref<1x!tpu.dma_semaphore, #tpu.memory_space<semaphore_mem>> -> memref<!tpu.dma_semaphore, #tpu.memory_space<semaphore_mem>>
    %dma_start3A_391 = arith.constant 0 : i32
    %dma_start3A_392 = arith.constant 0 : i32
    %dma_start3A_393 = tpu.memref_slice %arg3[%dma_start3A_387, %dma_start3A_391, %dma_start3A_392] : memref<4x256x4096xf32, #tpu.memory_space<vmem>> -> memref<1x256x4096xf32, #tpu.memory_space<vmem>>
    %dma_start3A_394 = tpu.memref_squeeze %dma_start3A_393 : memref<1x256x4096xf32, #tpu.memory_space<vmem>> -> memref<256x4096xf32, #tpu.memory_space<vmem>>
    %dma_start3A_395 = arith.constant 256 : i32
    %dma_start3A_396 = arith.constant 0 : i32
    %dma_start3A_397 = tpu.memref_slice %arg1[%dma_start3A_386, %dma_start3A_395, %dma_start3A_396] : memref<8x512x4096xf32, #tpu.memory_space<hbm>> -> memref<1x256x4096xf32, #tpu.memory_space<hbm>>
    %dma_start3A_398 = tpu.memref_squeeze %dma_start3A_397 : memref<1x256x4096xf32, #tpu.memory_space<hbm>> -> memref<256x4096xf32, #tpu.memory_space<hbm>>
    tpu.enqueue_dma source(%dma_start3A_398 : memref<256x4096xf32, #tpu.memory_space<hbm>>) target(%dma_start3A_394 : memref<256x4096xf32, #tpu.memory_space<vmem>>) target_semaphore(%dma_start3A_390 : memref<!tpu.dma_semaphore, #tpu.memory_space<semaphore_mem>>)
    %dma_wait3A_399 = arith.constant 4 : i32
    %dma_wait3A_400 = arith.constant 0 : i32
    %dma_wait3A_401 = arith.constant 0 : i32
    %dma_wait3A_402 = tpu.memref_slice %arg4[%dma_wait3A_401] : memref<4x!tpu.dma_semaphore, #tpu.memory_space<semaphore_mem>> -> memref<1x!tpu.dma_semaphore, #tpu.memory_space<semaphore_mem>>
    %dma_wait3A_403 = tpu.memref_squeeze %dma_wait3A_402 : memref<1x!tpu.dma_semaphore, #tpu.memory_space<semaphore_mem>> -> memref<!tpu.dma_semaphore, #tpu.memory_space<semaphore_mem>>
    %dma_wait3A_404 = arith.constant 0 : i32
    %dma_wait3A_405 = arith.constant 0 : i32
    %dma_wait3A_406 = tpu.memref_slice %arg3[%dma_wait3A_400, %dma_wait3A_404, %dma_wait3A_405] : memref<4x256x4096xf32, #tpu.memory_space<vmem>> -> memref<1x256x4096xf32, #tpu.memory_space<vmem>>
    %dma_wait3A_407 = tpu.memref_squeeze %dma_wait3A_406 : memref<1x256x4096xf32, #tpu.memory_space<vmem>> -> memref<256x4096xf32, #tpu.memory_space<vmem>>
    %dma_wait3A_408 = arith.constant 0 : i32
    %dma_wait3A_409 = arith.constant 0 : i32
    %dma_wait3A_410 = tpu.memref_slice %arg1[%dma_wait3A_399, %dma_wait3A_408, %dma_wait3A_409] : memref<8x512x4096xf32, #tpu.memory_space<hbm>> -> memref<1x256x4096xf32, #tpu.memory_space<hbm>>
    %dma_wait3A_411 = tpu.memref_squeeze %dma_wait3A_410 : memref<1x256x4096xf32, #tpu.memory_space<hbm>> -> memref<256x4096xf32, #tpu.memory_space<hbm>>
    tpu.wait_dma2 semaphore(%dma_wait3A_403 : memref<!tpu.dma_semaphore, #tpu.memory_space<semaphore_mem>>) src(%dma_wait3A_411 : memref<256x4096xf32, #tpu.memory_space<hbm>>) dst(%dma_wait3A_407 : memref<256x4096xf32, #tpu.memory_space<vmem>>)
    %get3A_412 = arith.constant 4 : index
    %get3A_413 = arith.constant 0 : index
    %get3A_414 = arith.constant 0 : index
    %get3A_415 = vector.load %arg0[%get3A_412, %get3A_413, %get3A_414] : memref<8x2x4096xf32, #tpu.memory_space<vmem>>, vector<1x2x4096xf32>
    %get3A_416 = vector.shape_cast %get3A_415 : vector<1x2x4096xf32> to vector<2x4096xf32>
    %get3A_417 = arith.constant 0 : index
    %get3A_418 = arith.constant 0 : index
    %get3A_419 = arith.constant 0 : index
    %get3A_420 = vector.load %arg3[%get3A_417, %get3A_418, %get3A_419] : memref<4x256x4096xf32, #tpu.memory_space<vmem>>, vector<1x256x4096xf32>
    %get3A_421 = vector.shape_cast %get3A_420 : vector<1x256x4096xf32> to vector<256x4096xf32>
    %dot_general3A_422 = arith.constant dense<0.000000e+00> : vector<2x256xf32>
    %dot_general3A_423 = tpu.matmul %get3A_416, %get3A_421, %dot_general3A_422 {dimension_numbers = #tpu.dot_dimension_numbers<[1], [1], [0], [0], [0, 0, 1, 0], [], []>, transpose_lhs_hint = false} : vector<2x4096xf32>, vector<256x4096xf32>, vector<2x256xf32> -> vector<2x256xf32>
    %swap3A_424 = arith.constant 4 : index
    %swap3A_425 = arith.constant 0 : index
    %swap3A_426 = arith.constant 0 : index
    %swap3A_427 = vector.load %arg2[%swap3A_424, %swap3A_425, %swap3A_426] : memref<8x2x512xf32, #tpu.memory_space<vmem>>, vector<1x2x256xf32>
    %swap3A_428 = vector.shape_cast %swap3A_427 : vector<1x2x256xf32> to vector<2x256xf32>
    %swap3A_429 = vector.shape_cast %dot_general3A_423 : vector<2x256xf32> to vector<1x2x256xf32>
    tpu.vector_store %arg2[%swap3A_424, %swap3A_425, %swap3A_426], %swap3A_429 {strides = array<i32>} : memref<8x2x512xf32, #tpu.memory_space<vmem>>, vector<1x2x256xf32>,
    %dma_start3A_430 = arith.constant 6 : i32
    %dma_start3A_431 = arith.constant 0 : i32
    %dma_start3A_432 = arith.constant 0 : i32
    %dma_start3A_433 = tpu.memref_slice %arg4[%dma_start3A_432] : memref<4x!tpu.dma_semaphore, #tpu.memory_space<semaphore_mem>> -> memref<1x!tpu.dma_semaphore, #tpu.memory_space<semaphore_mem>>
    %dma_start3A_434 = tpu.memref_squeeze %dma_start3A_433 : memref<1x!tpu.dma_semaphore, #tpu.memory_space<semaphore_mem>> -> memref<!tpu.dma_semaphore, #tpu.memory_space<semaphore_mem>>
    %dma_start3A_435 = arith.constant 0 : i32
    %dma_start3A_436 = arith.constant 0 : i32
    %dma_start3A_437 = tpu.memref_slice %arg3[%dma_start3A_431, %dma_start3A_435, %dma_start3A_436] : memref<4x256x4096xf32, #tpu.memory_space<vmem>> -> memref<1x256x4096xf32, #tpu.memory_space<vmem>>
    %dma_start3A_438 = tpu.memref_squeeze %dma_start3A_437 : memref<1x256x4096xf32, #tpu.memory_space<vmem>> -> memref<256x4096xf32, #tpu.memory_space<vmem>>
    %dma_start3A_439 = arith.constant 0 : i32
    %dma_start3A_440 = arith.constant 0 : i32
    %dma_start3A_441 = tpu.memref_slice %arg1[%dma_start3A_430, %dma_start3A_439, %dma_start3A_440] : memref<8x512x4096xf32, #tpu.memory_space<hbm>> -> memref<1x256x4096xf32, #tpu.memory_space<hbm>>
    %dma_start3A_442 = tpu.memref_squeeze %dma_start3A_441 : memref<1x256x4096xf32, #tpu.memory_space<hbm>> -> memref<256x4096xf32, #tpu.memory_space<hbm>>
    tpu.enqueue_dma source(%dma_start3A_442 : memref<256x4096xf32, #tpu.memory_space<hbm>>) target(%dma_start3A_438 : memref<256x4096xf32, #tpu.memory_space<vmem>>) target_semaphore(%dma_start3A_434 : memref<!tpu.dma_semaphore, #tpu.memory_space<semaphore_mem>>)
    %dma_wait3A_443 = arith.constant 4 : i32
    %dma_wait3A_444 = arith.constant 1 : i32
    %dma_wait3A_445 = arith.constant 1 : i32
    %dma_wait3A_446 = tpu.memref_slice %arg4[%dma_wait3A_445] : memref<4x!tpu.dma_semaphore, #tpu.memory_space<semaphore_mem>> -> memref<1x!tpu.dma_semaphore, #tpu.memory_space<semaphore_mem>>
    %dma_wait3A_447 = tpu.memref_squeeze %dma_wait3A_446 : memref<1x!tpu.dma_semaphore, #tpu.memory_space<semaphore_mem>> -> memref<!tpu.dma_semaphore, #tpu.memory_space<semaphore_mem>>
    %dma_wait3A_448 = arith.constant 0 : i32
    %dma_wait3A_449 = arith.constant 0 : i32
    %dma_wait3A_450 = tpu.memref_slice %arg3[%dma_wait3A_444, %dma_wait3A_448, %dma_wait3A_449] : memref<4x256x4096xf32, #tpu.memory_space<vmem>> -> memref<1x256x4096xf32, #tpu.memory_space<vmem>>
    %dma_wait3A_451 = tpu.memref_squeeze %dma_wait3A_450 : memref<1x256x4096xf32, #tpu.memory_space<vmem>> -> memref<256x4096xf32, #tpu.memory_space<vmem>>
    %dma_wait3A_452 = arith.constant 256 : i32
    %dma_wait3A_453 = arith.constant 0 : i32
    %dma_wait3A_454 = tpu.memref_slice %arg1[%dma_wait3A_443, %dma_wait3A_452, %dma_wait3A_453] : memref<8x512x4096xf32, #tpu.memory_space<hbm>> -> memref<1x256x4096xf32, #tpu.memory_space<hbm>>
    %dma_wait3A_455 = tpu.memref_squeeze %dma_wait3A_454 : memref<1x256x4096xf32, #tpu.memory_space<hbm>> -> memref<256x4096xf32, #tpu.memory_space<hbm>>
    tpu.wait_dma2 semaphore(%dma_wait3A_447 : memref<!tpu.dma_semaphore, #tpu.memory_space<semaphore_mem>>) src(%dma_wait3A_455 : memref<256x4096xf32, #tpu.memory_space<hbm>>) dst(%dma_wait3A_451 : memref<256x4096xf32, #tpu.memory_space<vmem>>)
    %get3A_456 = arith.constant 4 : index
    %get3A_457 = arith.constant 0 : index
    %get3A_458 = arith.constant 0 : index
    %get3A_459 = vector.load %arg0[%get3A_456, %get3A_457, %get3A_458] : memref<8x2x4096xf32, #tpu.memory_space<vmem>>, vector<1x2x4096xf32>
    %get3A_460 = vector.shape_cast %get3A_459 : vector<1x2x4096xf32> to vector<2x4096xf32>
    %get3A_461 = arith.constant 1 : index
    %get3A_462 = arith.constant 0 : index
    %get3A_463 = arith.constant 0 : index
    %get3A_464 = vector.load %arg3[%get3A_461, %get3A_462, %get3A_463] : memref<4x256x4096xf32, #tpu.memory_space<vmem>>, vector<1x256x4096xf32>
    %get3A_465 = vector.shape_cast %get3A_464 : vector<1x256x4096xf32> to vector<256x4096xf32>
    %dot_general3A_466 = arith.constant dense<0.000000e+00> : vector<2x256xf32>
    %dot_general3A_467 = tpu.matmul %get3A_460, %get3A_465, %dot_general3A_466 {dimension_numbers = #tpu.dot_dimension_numbers<[1], [1], [0], [0], [0, 0, 1, 0], [], []>, transpose_lhs_hint = false} : vector<2x4096xf32>, vector<256x4096xf32>, vector<2x256xf32> -> vector<2x256xf32>
    %swap3A_468 = arith.constant 4 : index
    %swap3A_469 = arith.constant 0 : index
    %swap3A_470 = arith.constant 256 : index
    %swap3A_471 = vector.load %arg2[%swap3A_468, %swap3A_469, %swap3A_470] : memref<8x2x512xf32, #tpu.memory_space<vmem>>, vector<1x2x256xf32>
    %swap3A_472 = vector.shape_cast %swap3A_471 : vector<1x2x256xf32> to vector<2x256xf32>
    %swap3A_473 = vector.shape_cast %dot_general3A_467 : vector<2x256xf32> to vector<1x2x256xf32>
    tpu.vector_store %arg2[%swap3A_468, %swap3A_469, %swap3A_470], %swap3A_473 {strides = array<i32>} : memref<8x2x512xf32, #tpu.memory_space<vmem>>, vector<1x2x256xf32>,
    %dma_start3A_474 = arith.constant 6 : i32
    %dma_start3A_475 = arith.constant 1 : i32
    %dma_start3A_476 = arith.constant 1 : i32
    %dma_start3A_477 = tpu.memref_slice %arg4[%dma_start3A_476] : memref<4x!tpu.dma_semaphore, #tpu.memory_space<semaphore_mem>> -> memref<1x!tpu.dma_semaphore, #tpu.memory_space<semaphore_mem>>
    %dma_start3A_478 = tpu.memref_squeeze %dma_start3A_477 : memref<1x!tpu.dma_semaphore, #tpu.memory_space<semaphore_mem>> -> memref<!tpu.dma_semaphore, #tpu.memory_space<semaphore_mem>>
    %dma_start3A_479 = arith.constant 0 : i32
    %dma_start3A_480 = arith.constant 0 : i32
    %dma_start3A_481 = tpu.memref_slice %arg3[%dma_start3A_475, %dma_start3A_479, %dma_start3A_480] : memref<4x256x4096xf32, #tpu.memory_space<vmem>> -> memref<1x256x4096xf32, #tpu.memory_space<vmem>>
    %dma_start3A_482 = tpu.memref_squeeze %dma_start3A_481 : memref<1x256x4096xf32, #tpu.memory_space<vmem>> -> memref<256x4096xf32, #tpu.memory_space<vmem>>
    %dma_start3A_483 = arith.constant 256 : i32
    %dma_start3A_484 = arith.constant 0 : i32
    %dma_start3A_485 = tpu.memref_slice %arg1[%dma_start3A_474, %dma_start3A_483, %dma_start3A_484] : memref<8x512x4096xf32, #tpu.memory_space<hbm>> -> memref<1x256x4096xf32, #tpu.memory_space<hbm>>
    %dma_start3A_486 = tpu.memref_squeeze %dma_start3A_485 : memref<1x256x4096xf32, #tpu.memory_space<hbm>> -> memref<256x4096xf32, #tpu.memory_space<hbm>>
    tpu.enqueue_dma source(%dma_start3A_486 : memref<256x4096xf32, #tpu.memory_space<hbm>>) target(%dma_start3A_482 : memref<256x4096xf32, #tpu.memory_space<vmem>>) target_semaphore(%dma_start3A_478 : memref<!tpu.dma_semaphore, #tpu.memory_space<semaphore_mem>>)
    %dma_wait3A_487 = arith.constant 5 : i32
    %dma_wait3A_488 = arith.constant 2 : i32
    %dma_wait3A_489 = arith.constant 2 : i32
    %dma_wait3A_490 = tpu.memref_slice %arg4[%dma_wait3A_489] : memref<4x!tpu.dma_semaphore, #tpu.memory_space<semaphore_mem>> -> memref<1x!tpu.dma_semaphore, #tpu.memory_space<semaphore_mem>>
    %dma_wait3A_491 = tpu.memref_squeeze %dma_wait3A_490 : memref<1x!tpu.dma_semaphore, #tpu.memory_space<semaphore_mem>> -> memref<!tpu.dma_semaphore, #tpu.memory_space<semaphore_mem>>
    %dma_wait3A_492 = arith.constant 0 : i32
    %dma_wait3A_493 = arith.constant 0 : i32
    %dma_wait3A_494 = tpu.memref_slice %arg3[%dma_wait3A_488, %dma_wait3A_492, %dma_wait3A_493] : memref<4x256x4096xf32, #tpu.memory_space<vmem>> -> memref<1x256x4096xf32, #tpu.memory_space<vmem>>
    %dma_wait3A_495 = tpu.memref_squeeze %dma_wait3A_494 : memref<1x256x4096xf32, #tpu.memory_space<vmem>> -> memref<256x4096xf32, #tpu.memory_space<vmem>>
    %dma_wait3A_496 = arith.constant 0 : i32
    %dma_wait3A_497 = arith.constant 0 : i32
    %dma_wait3A_498 = tpu.memref_slice %arg1[%dma_wait3A_487, %dma_wait3A_496, %dma_wait3A_497] : memref<8x512x4096xf32, #tpu.memory_space<hbm>> -> memref<1x256x4096xf32, #tpu.memory_space<hbm>>
    %dma_wait3A_499 = tpu.memref_squeeze %dma_wait3A_498 : memref<1x256x4096xf32, #tpu.memory_space<hbm>> -> memref<256x4096xf32, #tpu.memory_space<hbm>>
    tpu.wait_dma2 semaphore(%dma_wait3A_491 : memref<!tpu.dma_semaphore, #tpu.memory_space<semaphore_mem>>) src(%dma_wait3A_499 : memref<256x4096xf32, #tpu.memory_space<hbm>>) dst(%dma_wait3A_495 : memref<256x4096xf32, #tpu.memory_space<vmem>>)
    %get3A_500 = arith.constant 5 : index
    %get3A_501 = arith.constant 0 : index
    %get3A_502 = arith.constant 0 : index
    %get3A_503 = vector.load %arg0[%get3A_500, %get3A_501, %get3A_502] : memref<8x2x4096xf32, #tpu.memory_space<vmem>>, vector<1x2x4096xf32>
    %get3A_504 = vector.shape_cast %get3A_503 : vector<1x2x4096xf32> to vector<2x4096xf32>
    %get3A_505 = arith.constant 2 : index
    %get3A_506 = arith.constant 0 : index
    %get3A_507 = arith.constant 0 : index
    %get3A_508 = vector.load %arg3[%get3A_505, %get3A_506, %get3A_507] : memref<4x256x4096xf32, #tpu.memory_space<vmem>>, vector<1x256x4096xf32>
    %get3A_509 = vector.shape_cast %get3A_508 : vector<1x256x4096xf32> to vector<256x4096xf32>
    %dot_general3A_510 = arith.constant dense<0.000000e+00> : vector<2x256xf32>
    %dot_general3A_511 = tpu.matmul %get3A_504, %get3A_509, %dot_general3A_510 {dimension_numbers = #tpu.dot_dimension_numbers<[1], [1], [0], [0], [0, 0, 1, 0], [], []>, transpose_lhs_hint = false} : vector<2x4096xf32>, vector<256x4096xf32>, vector<2x256xf32> -> vector<2x256xf32>
    %swap3A_512 = arith.constant 5 : index
    %swap3A_513 = arith.constant 0 : index
    %swap3A_514 = arith.constant 0 : index
    %swap3A_515 = vector.load %arg2[%swap3A_512, %swap3A_513, %swap3A_514] : memref<8x2x512xf32, #tpu.memory_space<vmem>>, vector<1x2x256xf32>
    %swap3A_516 = vector.shape_cast %swap3A_515 : vector<1x2x256xf32> to vector<2x256xf32>
    %swap3A_517 = vector.shape_cast %dot_general3A_511 : vector<2x256xf32> to vector<1x2x256xf32>
    tpu.vector_store %arg2[%swap3A_512, %swap3A_513, %swap3A_514], %swap3A_517 {strides = array<i32>} : memref<8x2x512xf32, #tpu.memory_space<vmem>>, vector<1x2x256xf32>,
    %dma_start3A_518 = arith.constant 7 : i32
    %dma_start3A_519 = arith.constant 2 : i32
    %dma_start3A_520 = arith.constant 2 : i32
    %dma_start3A_521 = tpu.memref_slice %arg4[%dma_start3A_520] : memref<4x!tpu.dma_semaphore, #tpu.memory_space<semaphore_mem>> -> memref<1x!tpu.dma_semaphore, #tpu.memory_space<semaphore_mem>>
    %dma_start3A_522 = tpu.memref_squeeze %dma_start3A_521 : memref<1x!tpu.dma_semaphore, #tpu.memory_space<semaphore_mem>> -> memref<!tpu.dma_semaphore, #tpu.memory_space<semaphore_mem>>
    %dma_start3A_523 = arith.constant 0 : i32
    %dma_start3A_524 = arith.constant 0 : i32
    %dma_start3A_525 = tpu.memref_slice %arg3[%dma_start3A_519, %dma_start3A_523, %dma_start3A_524] : memref<4x256x4096xf32, #tpu.memory_space<vmem>> -> memref<1x256x4096xf32, #tpu.memory_space<vmem>>
    %dma_start3A_526 = tpu.memref_squeeze %dma_start3A_525 : memref<1x256x4096xf32, #tpu.memory_space<vmem>> -> memref<256x4096xf32, #tpu.memory_space<vmem>>
    %dma_start3A_527 = arith.constant 0 : i32
    %dma_start3A_528 = arith.constant 0 : i32
    %dma_start3A_529 = tpu.memref_slice %arg1[%dma_start3A_518, %dma_start3A_527, %dma_start3A_528] : memref<8x512x4096xf32, #tpu.memory_space<hbm>> -> memref<1x256x4096xf32, #tpu.memory_space<hbm>>
    %dma_start3A_530 = tpu.memref_squeeze %dma_start3A_529 : memref<1x256x4096xf32, #tpu.memory_space<hbm>> -> memref<256x4096xf32, #tpu.memory_space<hbm>>
    tpu.enqueue_dma source(%dma_start3A_530 : memref<256x4096xf32, #tpu.memory_space<hbm>>) target(%dma_start3A_526 : memref<256x4096xf32, #tpu.memory_space<vmem>>) target_semaphore(%dma_start3A_522 : memref<!tpu.dma_semaphore, #tpu.memory_space<semaphore_mem>>)
    %dma_wait3A_531 = arith.constant 5 : i32
    %dma_wait3A_532 = arith.constant 3 : i32
    %dma_wait3A_533 = arith.constant 3 : i32
    %dma_wait3A_534 = tpu.memref_slice %arg4[%dma_wait3A_533] : memref<4x!tpu.dma_semaphore, #tpu.memory_space<semaphore_mem>> -> memref<1x!tpu.dma_semaphore, #tpu.memory_space<semaphore_mem>>
    %dma_wait3A_535 = tpu.memref_squeeze %dma_wait3A_534 : memref<1x!tpu.dma_semaphore, #tpu.memory_space<semaphore_mem>> -> memref<!tpu.dma_semaphore, #tpu.memory_space<semaphore_mem>>
    %dma_wait3A_536 = arith.constant 0 : i32
    %dma_wait3A_537 = arith.constant 0 : i32
    %dma_wait3A_538 = tpu.memref_slice %arg3[%dma_wait3A_532, %dma_wait3A_536, %dma_wait3A_537] : memref<4x256x4096xf32, #tpu.memory_space<vmem>> -> memref<1x256x4096xf32, #tpu.memory_space<vmem>>
    %dma_wait3A_539 = tpu.memref_squeeze %dma_wait3A_538 : memref<1x256x4096xf32, #tpu.memory_space<vmem>> -> memref<256x4096xf32, #tpu.memory_space<vmem>>
    %dma_wait3A_540 = arith.constant 256 : i32
    %dma_wait3A_541 = arith.constant 0 : i32
    %dma_wait3A_542 = tpu.memref_slice %arg1[%dma_wait3A_531, %dma_wait3A_540, %dma_wait3A_541] : memref<8x512x4096xf32, #tpu.memory_space<hbm>> -> memref<1x256x4096xf32, #tpu.memory_space<hbm>>
    %dma_wait3A_543 = tpu.memref_squeeze %dma_wait3A_542 : memref<1x256x4096xf32, #tpu.memory_space<hbm>> -> memref<256x4096xf32, #tpu.memory_space<hbm>>
    tpu.wait_dma2 semaphore(%dma_wait3A_535 : memref<!tpu.dma_semaphore, #tpu.memory_space<semaphore_mem>>) src(%dma_wait3A_543 : memref<256x4096xf32, #tpu.memory_space<hbm>>) dst(%dma_wait3A_539 : memref<256x4096xf32, #tpu.memory_space<vmem>>)
    %get3A_544 = arith.constant 5 : index
    %get3A_545 = arith.constant 0 : index
    %get3A_546 = arith.constant 0 : index
    %get3A_547 = vector.load %arg0[%get3A_544, %get3A_545, %get3A_546] : memref<8x2x4096xf32, #tpu.memory_space<vmem>>, vector<1x2x4096xf32>
    %get3A_548 = vector.shape_cast %get3A_547 : vector<1x2x4096xf32> to vector<2x4096xf32>
    %get3A_549 = arith.constant 3 : index
    %get3A_550 = arith.constant 0 : index
    %get3A_551 = arith.constant 0 : index
    %get3A_552 = vector.load %arg3[%get3A_549, %get3A_550, %get3A_551] : memref<4x256x4096xf32, #tpu.memory_space<vmem>>, vector<1x256x4096xf32>
    %get3A_553 = vector.shape_cast %get3A_552 : vector<1x256x4096xf32> to vector<256x4096xf32>
    %dot_general3A_554 = arith.constant dense<0.000000e+00> : vector<2x256xf32>
    %dot_general3A_555 = tpu.matmul %get3A_548, %get3A_553, %dot_general3A_554 {dimension_numbers = #tpu.dot_dimension_numbers<[1], [1], [0], [0], [0, 0, 1, 0], [], []>, transpose_lhs_hint = false} : vector<2x4096xf32>, vector<256x4096xf32>, vector<2x256xf32> -> vector<2x256xf32>
    %swap3A_556 = arith.constant 5 : index
    %swap3A_557 = arith.constant 0 : index
    %swap3A_558 = arith.constant 256 : index
    %swap3A_559 = vector.load %arg2[%swap3A_556, %swap3A_557, %swap3A_558] : memref<8x2x512xf32, #tpu.memory_space<vmem>>, vector<1x2x256xf32>
    %swap3A_560 = vector.shape_cast %swap3A_559 : vector<1x2x256xf32> to vector<2x256xf32>
    %swap3A_561 = vector.shape_cast %dot_general3A_555 : vector<2x256xf32> to vector<1x2x256xf32>
    tpu.vector_store %arg2[%swap3A_556, %swap3A_557, %swap3A_558], %swap3A_561 {strides = array<i32>} : memref<8x2x512xf32, #tpu.memory_space<vmem>>, vector<1x2x256xf32>,
    %dma_start3A_562 = arith.constant 7 : i32
    %dma_start3A_563 = arith.constant 3 : i32
    %dma_start3A_564 = arith.constant 3 : i32
    %dma_start3A_565 = tpu.memref_slice %arg4[%dma_start3A_564] : memref<4x!tpu.dma_semaphore, #tpu.memory_space<semaphore_mem>> -> memref<1x!tpu.dma_semaphore, #tpu.memory_space<semaphore_mem>>
    %dma_start3A_566 = tpu.memref_squeeze %dma_start3A_565 : memref<1x!tpu.dma_semaphore, #tpu.memory_space<semaphore_mem>> -> memref<!tpu.dma_semaphore, #tpu.memory_space<semaphore_mem>>
    %dma_start3A_567 = arith.constant 0 : i32
    %dma_start3A_568 = arith.constant 0 : i32
    %dma_start3A_569 = tpu.memref_slice %arg3[%dma_start3A_563, %dma_start3A_567, %dma_start3A_568] : memref<4x256x4096xf32, #tpu.memory_space<vmem>> -> memref<1x256x4096xf32, #tpu.memory_space<vmem>>
    %dma_start3A_570 = tpu.memref_squeeze %dma_start3A_569 : memref<1x256x4096xf32, #tpu.memory_space<vmem>> -> memref<256x4096xf32, #tpu.memory_space<vmem>>
    %dma_start3A_571 = arith.constant 256 : i32
    %dma_start3A_572 = arith.constant 0 : i32
    %dma_start3A_573 = tpu.memref_slice %arg1[%dma_start3A_562, %dma_start3A_571, %dma_start3A_572] : memref<8x512x4096xf32, #tpu.memory_space<hbm>> -> memref<1x256x4096xf32, #tpu.memory_space<hbm>>
    %dma_start3A_574 = tpu.memref_squeeze %dma_start3A_573 : memref<1x256x4096xf32, #tpu.memory_space<hbm>> -> memref<256x4096xf32, #tpu.memory_space<hbm>>
    tpu.enqueue_dma source(%dma_start3A_574 : memref<256x4096xf32, #tpu.memory_space<hbm>>) target(%dma_start3A_570 : memref<256x4096xf32, #tpu.memory_space<vmem>>) target_semaphore(%dma_start3A_566 : memref<!tpu.dma_semaphore, #tpu.memory_space<semaphore_mem>>)
    %dma_wait3A_575 = arith.constant 6 : i32
    %dma_wait3A_576 = arith.constant 0 : i32
    %dma_wait3A_577 = arith.constant 0 : i32
    %dma_wait3A_578 = tpu.memref_slice %arg4[%dma_wait3A_577] : memref<4x!tpu.dma_semaphore, #tpu.memory_space<semaphore_mem>> -> memref<1x!tpu.dma_semaphore, #tpu.memory_space<semaphore_mem>>
    %dma_wait3A_579 = tpu.memref_squeeze %dma_wait3A_578 : memref<1x!tpu.dma_semaphore, #tpu.memory_space<semaphore_mem>> -> memref<!tpu.dma_semaphore, #tpu.memory_space<semaphore_mem>>
    %dma_wait3A_580 = arith.constant 0 : i32
    %dma_wait3A_581 = arith.constant 0 : i32
    %dma_wait3A_582 = tpu.memref_slice %arg3[%dma_wait3A_576, %dma_wait3A_580, %dma_wait3A_581] : memref<4x256x4096xf32, #tpu.memory_space<vmem>> -> memref<1x256x4096xf32, #tpu.memory_space<vmem>>
    %dma_wait3A_583 = tpu.memref_squeeze %dma_wait3A_582 : memref<1x256x4096xf32, #tpu.memory_space<vmem>> -> memref<256x4096xf32, #tpu.memory_space<vmem>>
    %dma_wait3A_584 = arith.constant 0 : i32
    %dma_wait3A_585 = arith.constant 0 : i32
    %dma_wait3A_586 = tpu.memref_slice %arg1[%dma_wait3A_575, %dma_wait3A_584, %dma_wait3A_585] : memref<8x512x4096xf32, #tpu.memory_space<hbm>> -> memref<1x256x4096xf32, #tpu.memory_space<hbm>>
    %dma_wait3A_587 = tpu.memref_squeeze %dma_wait3A_586 : memref<1x256x4096xf32, #tpu.memory_space<hbm>> -> memref<256x4096xf32, #tpu.memory_space<hbm>>
    tpu.wait_dma2 semaphore(%dma_wait3A_579 : memref<!tpu.dma_semaphore, #tpu.memory_space<semaphore_mem>>) src(%dma_wait3A_587 : memref<256x4096xf32, #tpu.memory_space<hbm>>) dst(%dma_wait3A_583 : memref<256x4096xf32, #tpu.memory_space<vmem>>)
    %get3A_588 = arith.constant 6 : index
    %get3A_589 = arith.constant 0 : index
    %get3A_590 = arith.constant 0 : index
    %get3A_591 = vector.load %arg0[%get3A_588, %get3A_589, %get3A_590] : memref<8x2x4096xf32, #tpu.memory_space<vmem>>, vector<1x2x4096xf32>
    %get3A_592 = vector.shape_cast %get3A_591 : vector<1x2x4096xf32> to vector<2x4096xf32>
    %get3A_593 = arith.constant 0 : index
    %get3A_594 = arith.constant 0 : index
    %get3A_595 = arith.constant 0 : index
    %get3A_596 = vector.load %arg3[%get3A_593, %get3A_594, %get3A_595] : memref<4x256x4096xf32, #tpu.memory_space<vmem>>, vector<1x256x4096xf32>
    %get3A_597 = vector.shape_cast %get3A_596 : vector<1x256x4096xf32> to vector<256x4096xf32>
    %dot_general3A_598 = arith.constant dense<0.000000e+00> : vector<2x256xf32>
    %dot_general3A_599 = tpu.matmul %get3A_592, %get3A_597, %dot_general3A_598 {dimension_numbers = #tpu.dot_dimension_numbers<[1], [1], [0], [0], [0, 0, 1, 0], [], []>, transpose_lhs_hint = false} : vector<2x4096xf32>, vector<256x4096xf32>, vector<2x256xf32> -> vector<2x256xf32>
    %swap3A_600 = arith.constant 6 : index
    %swap3A_601 = arith.constant 0 : index
    %swap3A_602 = arith.constant 0 : index
    %swap3A_603 = vector.load %arg2[%swap3A_600, %swap3A_601, %swap3A_602] : memref<8x2x512xf32, #tpu.memory_space<vmem>>, vector<1x2x256xf32>
    %swap3A_604 = vector.shape_cast %swap3A_603 : vector<1x2x256xf32> to vector<2x256xf32>
    %swap3A_605 = vector.shape_cast %dot_general3A_599 : vector<2x256xf32> to vector<1x2x256xf32>
    tpu.vector_store %arg2[%swap3A_600, %swap3A_601, %swap3A_602], %swap3A_605 {strides = array<i32>} : memref<8x2x512xf32, #tpu.memory_space<vmem>>, vector<1x2x256xf32>,
    %dma_wait3A_606 = arith.constant 6 : i32
    %dma_wait3A_607 = arith.constant 1 : i32
    %dma_wait3A_608 = arith.constant 1 : i32
    %dma_wait3A_609 = tpu.memref_slice %arg4[%dma_wait3A_608] : memref<4x!tpu.dma_semaphore, #tpu.memory_space<semaphore_mem>> -> memref<1x!tpu.dma_semaphore, #tpu.memory_space<semaphore_mem>>
    %dma_wait3A_610 = tpu.memref_squeeze %dma_wait3A_609 : memref<1x!tpu.dma_semaphore, #tpu.memory_space<semaphore_mem>> -> memref<!tpu.dma_semaphore, #tpu.memory_space<semaphore_mem>>
    %dma_wait3A_611 = arith.constant 0 : i32
    %dma_wait3A_612 = arith.constant 0 : i32
    %dma_wait3A_613 = tpu.memref_slice %arg3[%dma_wait3A_607, %dma_wait3A_611, %dma_wait3A_612] : memref<4x256x4096xf32, #tpu.memory_space<vmem>> -> memref<1x256x4096xf32, #tpu.memory_space<vmem>>
    %dma_wait3A_614 = tpu.memref_squeeze %dma_wait3A_613 : memref<1x256x4096xf32, #tpu.memory_space<vmem>> -> memref<256x4096xf32, #tpu.memory_space<vmem>>
    %dma_wait3A_615 = arith.constant 256 : i32
    %dma_wait3A_616 = arith.constant 0 : i32
    %dma_wait3A_617 = tpu.memref_slice %arg1[%dma_wait3A_606, %dma_wait3A_615, %dma_wait3A_616] : memref<8x512x4096xf32, #tpu.memory_space<hbm>> -> memref<1x256x4096xf32, #tpu.memory_space<hbm>>
    %dma_wait3A_618 = tpu.memref_squeeze %dma_wait3A_617 : memref<1x256x4096xf32, #tpu.memory_space<hbm>> -> memref<256x4096xf32, #tpu.memory_space<hbm>>
    tpu.wait_dma2 semaphore(%dma_wait3A_610 : memref<!tpu.dma_semaphore, #tpu.memory_space<semaphore_mem>>) src(%dma_wait3A_618 : memref<256x4096xf32, #tpu.memory_space<hbm>>) dst(%dma_wait3A_614 : memref<256x4096xf32, #tpu.memory_space<vmem>>)
    %get3A_619 = arith.constant 6 : index
    %get3A_620 = arith.constant 0 : index
    %get3A_621 = arith.constant 0 : index
    %get3A_622 = vector.load %arg0[%get3A_619, %get3A_620, %get3A_621] : memref<8x2x4096xf32, #tpu.memory_space<vmem>>, vector<1x2x4096xf32>
    %get3A_623 = vector.shape_cast %get3A_622 : vector<1x2x4096xf32> to vector<2x4096xf32>
    %get3A_624 = arith.constant 1 : index
    %get3A_625 = arith.constant 0 : index
    %get3A_626 = arith.constant 0 : index
    %get3A_627 = vector.load %arg3[%get3A_624, %get3A_625, %get3A_626] : memref<4x256x4096xf32, #tpu.memory_space<vmem>>, vector<1x256x4096xf32>
    %get3A_628 = vector.shape_cast %get3A_627 : vector<1x256x4096xf32> to vector<256x4096xf32>
    %dot_general3A_629 = arith.constant dense<0.000000e+00> : vector<2x256xf32>
    %dot_general3A_630 = tpu.matmul %get3A_623, %get3A_628, %dot_general3A_629 {dimension_numbers = #tpu.dot_dimension_numbers<[1], [1], [0], [0], [0, 0, 1, 0], [], []>, transpose_lhs_hint = false} : vector<2x4096xf32>, vector<256x4096xf32>, vector<2x256xf32> -> vector<2x256xf32>
    %swap3A_631 = arith.constant 6 : index
    %swap3A_632 = arith.constant 0 : index
    %swap3A_633 = arith.constant 256 : index
    %swap3A_634 = vector.load %arg2[%swap3A_631, %swap3A_632, %swap3A_633] : memref<8x2x512xf32, #tpu.memory_space<vmem>>, vector<1x2x256xf32>
    %swap3A_635 = vector.shape_cast %swap3A_634 : vector<1x2x256xf32> to vector<2x256xf32>
    %swap3A_636 = vector.shape_cast %dot_general3A_630 : vector<2x256xf32> to vector<1x2x256xf32>
    tpu.vector_store %arg2[%swap3A_631, %swap3A_632, %swap3A_633], %swap3A_636 {strides = array<i32>} : memref<8x2x512xf32, #tpu.memory_space<vmem>>, vector<1x2x256xf32>,
    %dma_wait3A_637 = arith.constant 7 : i32
    %dma_wait3A_638 = arith.constant 2 : i32
    %dma_wait3A_639 = arith.constant 2 : i32
    %dma_wait3A_640 = tpu.memref_slice %arg4[%dma_wait3A_639] : memref<4x!tpu.dma_semaphore, #tpu.memory_space<semaphore_mem>> -> memref<1x!tpu.dma_semaphore, #tpu.memory_space<semaphore_mem>>
    %dma_wait3A_641 = tpu.memref_squeeze %dma_wait3A_640 : memref<1x!tpu.dma_semaphore, #tpu.memory_space<semaphore_mem>> -> memref<!tpu.dma_semaphore, #tpu.memory_space<semaphore_mem>>
    %dma_wait3A_642 = arith.constant 0 : i32
    %dma_wait3A_643 = arith.constant 0 : i32
    %dma_wait3A_644 = tpu.memref_slice %arg3[%dma_wait3A_638, %dma_wait3A_642, %dma_wait3A_643] : memref<4x256x4096xf32, #tpu.memory_space<vmem>> -> memref<1x256x4096xf32, #tpu.memory_space<vmem>>
    %dma_wait3A_645 = tpu.memref_squeeze %dma_wait3A_644 : memref<1x256x4096xf32, #tpu.memory_space<vmem>> -> memref<256x4096xf32, #tpu.memory_space<vmem>>
    %dma_wait3A_646 = arith.constant 0 : i32
    %dma_wait3A_647 = arith.constant 0 : i32
    %dma_wait3A_648 = tpu.memref_slice %arg1[%dma_wait3A_637, %dma_wait3A_646, %dma_wait3A_647] : memref<8x512x4096xf32, #tpu.memory_space<hbm>> -> memref<1x256x4096xf32, #tpu.memory_space<hbm>>
    %dma_wait3A_649 = tpu.memref_squeeze %dma_wait3A_648 : memref<1x256x4096xf32, #tpu.memory_space<hbm>> -> memref<256x4096xf32, #tpu.memory_space<hbm>>
    tpu.wait_dma2 semaphore(%dma_wait3A_641 : memref<!tpu.dma_semaphore, #tpu.memory_space<semaphore_mem>>) src(%dma_wait3A_649 : memref<256x4096xf32, #tpu.memory_space<hbm>>) dst(%dma_wait3A_645 : memref<256x4096xf32, #tpu.memory_space<vmem>>)
    %get3A_650 = arith.constant 7 : index
    %get3A_651 = arith.constant 0 : index
    %get3A_652 = arith.constant 0 : index
    %get3A_653 = vector.load %arg0[%get3A_650, %get3A_651, %get3A_652] : memref<8x2x4096xf32, #tpu.memory_space<vmem>>, vector<1x2x4096xf32>
    %get3A_654 = vector.shape_cast %get3A_653 : vector<1x2x4096xf32> to vector<2x4096xf32>
    %get3A_655 = arith.constant 2 : index
    %get3A_656 = arith.constant 0 : index
    %get3A_657 = arith.constant 0 : index
    %get3A_658 = vector.load %arg3[%get3A_655, %get3A_656, %get3A_657] : memref<4x256x4096xf32, #tpu.memory_space<vmem>>, vector<1x256x4096xf32>
    %get3A_659 = vector.shape_cast %get3A_658 : vector<1x256x4096xf32> to vector<256x4096xf32>
    %dot_general3A_660 = arith.constant dense<0.000000e+00> : vector<2x256xf32>
    %dot_general3A_661 = tpu.matmul %get3A_654, %get3A_659, %dot_general3A_660 {dimension_numbers = #tpu.dot_dimension_numbers<[1], [1], [0], [0], [0, 0, 1, 0], [], []>, transpose_lhs_hint = false} : vector<2x4096xf32>, vector<256x4096xf32>, vector<2x256xf32> -> vector<2x256xf32>
    %swap3A_662 = arith.constant 7 : index
    %swap3A_663 = arith.constant 0 : index
    %swap3A_664 = arith.constant 0 : index
    %swap3A_665 = vector.load %arg2[%swap3A_662, %swap3A_663, %swap3A_664] : memref<8x2x512xf32, #tpu.memory_space<vmem>>, vector<1x2x256xf32>
    %swap3A_666 = vector.shape_cast %swap3A_665 : vector<1x2x256xf32> to vector<2x256xf32>
    %swap3A_667 = vector.shape_cast %dot_general3A_661 : vector<2x256xf32> to vector<1x2x256xf32>
    tpu.vector_store %arg2[%swap3A_662, %swap3A_663, %swap3A_664], %swap3A_667 {strides = array<i32>} : memref<8x2x512xf32, #tpu.memory_space<vmem>>, vector<1x2x256xf32>,
    %dma_wait3A_668 = arith.constant 7 : i32
    %dma_wait3A_669 = arith.constant 3 : i32
    %dma_wait3A_670 = arith.constant 3 : i32
    %dma_wait3A_671 = tpu.memref_slice %arg4[%dma_wait3A_670] : memref<4x!tpu.dma_semaphore, #tpu.memory_space<semaphore_mem>> -> memref<1x!tpu.dma_semaphore, #tpu.memory_space<semaphore_mem>>
    %dma_wait3A_672 = tpu.memref_squeeze %dma_wait3A_671 : memref<1x!tpu.dma_semaphore, #tpu.memory_space<semaphore_mem>> -> memref<!tpu.dma_semaphore, #tpu.memory_space<semaphore_mem>>
    %dma_wait3A_673 = arith.constant 0 : i32
    %dma_wait3A_674 = arith.constant 0 : i32
    %dma_wait3A_675 = tpu.memref_slice %arg3[%dma_wait3A_669, %dma_wait3A_673, %dma_wait3A_674] : memref<4x256x4096xf32, #tpu.memory_space<vmem>> -> memref<1x256x4096xf32, #tpu.memory_space<vmem>>
    %dma_wait3A_676 = tpu.memref_squeeze %dma_wait3A_675 : memref<1x256x4096xf32, #tpu.memory_space<vmem>> -> memref<256x4096xf32, #tpu.memory_space<vmem>>
    %dma_wait3A_677 = arith.constant 256 : i32
    %dma_wait3A_678 = arith.constant 0 : i32
    %dma_wait3A_679 = tpu.memref_slice %arg1[%dma_wait3A_668, %dma_wait3A_677, %dma_wait3A_678] : memref<8x512x4096xf32, #tpu.memory_space<hbm>> -> memref<1x256x4096xf32, #tpu.memory_space<hbm>>
    %dma_wait3A_680 = tpu.memref_squeeze %dma_wait3A_679 : memref<1x256x4096xf32, #tpu.memory_space<hbm>> -> memref<256x4096xf32, #tpu.memory_space<hbm>>
    tpu.wait_dma2 semaphore(%dma_wait3A_672 : memref<!tpu.dma_semaphore, #tpu.memory_space<semaphore_mem>>) src(%dma_wait3A_680 : memref<256x4096xf32, #tpu.memory_space<hbm>>) dst(%dma_wait3A_676 : memref<256x4096xf32, #tpu.memory_space<vmem>>)
    %get3A_681 = arith.constant 7 : index
    %get3A_682 = arith.constant 0 : index
    %get3A_683 = arith.constant 0 : index
    %get3A_684 = vector.load %arg0[%get3A_681, %get3A_682, %get3A_683] : memref<8x2x4096xf32, #tpu.memory_space<vmem>>, vector<1x2x4096xf32>
    %get3A_685 = vector.shape_cast %get3A_684 : vector<1x2x4096xf32> to vector<2x4096xf32>
    %get3A_686 = arith.constant 3 : index
    %get3A_687 = arith.constant 0 : index
    %get3A_688 = arith.constant 0 : index
    %get3A_689 = vector.load %arg3[%get3A_686, %get3A_687, %get3A_688] : memref<4x256x4096xf32, #tpu.memory_space<vmem>>, vector<1x256x4096xf32>
    %get3A_690 = vector.shape_cast %get3A_689 : vector<1x256x4096xf32> to vector<256x4096xf32>
    %dot_general3A_691 = arith.constant dense<0.000000e+00> : vector<2x256xf32>
    %dot_general3A_692 = tpu.matmul %get3A_685, %get3A_690, %dot_general3A_691 {dimension_numbers = #tpu.dot_dimension_numbers<[1], [1], [0], [0], [0, 0, 1, 0], [], []>, transpose_lhs_hint = false} : vector<2x4096xf32>, vector<256x4096xf32>, vector<2x256xf32> -> vector<2x256xf32>
    %swap3A_693 = arith.constant 7 : index
    %swap3A_694 = arith.constant 0 : index
    %swap3A_695 = arith.constant 256 : index
    %swap3A_696 = vector.load %arg2[%swap3A_693, %swap3A_694, %swap3A_695] : memref<8x2x512xf32, #tpu.memory_space<vmem>>, vector<1x2x256xf32>
    %swap3A_697 = vector.shape_cast %swap3A_696 : vector<1x2x256xf32> to vector<2x256xf32>
    %swap3A_698 = vector.shape_cast %dot_general3A_692 : vector<2x256xf32> to vector<1x2x256xf32>
    tpu.vector_store %arg2[%swap3A_693, %swap3A_694, %swap3A_695], %swap3A_698 {strides = array<i32>} : memref<8x2x512xf32, #tpu.memory_space<vmem>>, vector<1x2x256xf32>,
    return
  }
}

</mosaic_0001>

<sc_bundles>
// kernel: _run.4.cloned.1.call-start
scs
__scs_entry_jumppad:
0x0: {  	(pc) =	sbr.rel $0x88, $3  }
0x1: {  	(tag) =	ssettag $0x0;
	lr =	simm.s32 $0x1  }
0x2: {  	[smem:$0x3F9E] =	sst lr;
	_ =	strace $0xD0000000  }
0x3: {  	_ = 	snop  }
0x4: {  	_ = 	snop  }
0x5: {  	_ = 	snop  }
0x6: {  	_ = 	snop  }
0x7: {  	_ = 	snop  }
__scs_overlays_trampoline_lowered:
0x8: {  	[smem:$0x3FAD] =	sst s0  }
0x9: {  	[smem:$0x3FAE] =	sst s1  }
0xa: {  	[smem:$0x3FAF] =	sst s2  }
0xb: {  	[smem:$0x3FB0] =	sst s3  }
0xc: {  	[smem:$0x3FB1] =	sst s4  }
0xd: {  	[smem:$0x3FB2] =	sst s5  }
0xe: {  	[smem:$0x3FB3] =	sst s6  }
0xf: {  	[smem:$0x3FB4] =	sst s7  }
0x10: {  	[smem:$0x3FB5] =	sst s8  }
0x11: {  	[smem:$0x3FB6] =	sst s9;
	s0 =	simm.s32 @!p0 $0x0  }
0x12: {  	s1 =	sld [smem:$0x3F9C];
	s0 =	simm.s32 @p0 $0x1  }
0x13: {  	[smem:$0x3FB7] =	sst s0;
	s0 =	simm.s32 @!p1 $0x0  }
0x14: {  	s2 =	sld [smem:$0x3F9B];
	s0 =	simm.s32 @p1 $0x1  }
0x15: {  	[smem:$0x3FB8] =	sst s0;
	s0 =	simm.s32 @!p2 $0x0  }
0x16: {  	s3 =	sld [smem:$0x3FDB];
	s0 =	simm.s32 @p2 $0x1  }
0x17: {  	s4 =	simm.s32 $0x1BF5;
	[smem:$0x3FBA] =	sst s0  }
0x18: {  	s0 =	sld [smem:$0x3F9D];
	_ =	swait.ge [sflag:s4], $0x0  }
0x19: {  	s7 =	sld [smem:$0x3F9E]  }
0x1a: {  	s8 =	sadd.s32 $0xFFFFE003, lr  }
0x1b: {  	s9 =	sadd.s32 $0xFFFFFEF7, lr;
	s5 =	simm.s32 $0xFFFFFFFF;
	p2 =	slt.u32 s8, $0xFFFFF086  }
0x1c: {  	p1 =	slt.u32 s9, $0xF7A;
	s5 =	simm.s32 @!p2 $0x0  }
0x1d: {  	s5 =	simm.s32 @p1 $0x1;
	p0 =	seq.s32 s7, s2  }
0x1e: {  	s7 =	smul.u32 @!p0 $0xF7A, s2;
	p2 =	seq.s32 @!p0 s5, $0x0  }
0x1f: {  	s9 =	smul.u32 $0xF7A, s1;
	s8 =	simm.s32 @!p0 $0x1BF5;
	p2 =	por !p2, p0  }
0x20: {  	[sflag:s8] =	ssyncset.s32 @!p0 $0xFFFFF086;
	s6 =	sadd.s32 @!p0 s3, s7;
	s7 =	simm.s32 @!p0 $0x108  }
0x21: {  	s3 =	sadd.s32 s3, s9;
	s6 =	sadd.s32 @!p0 $0x88, s6;
	s7 =	simm.s32 @p2 $0x1082  }
0x22: {  	[simem:s7], [sflag:s8] =	dma.local @!p0 [hbm:s6], $0xF7A  }
0x23: {  	s9 =	sor.u32 $0xD0000000, s2;
	s6 =	simm.s32 $0x108;
	_ =	swait.ge @!p0 [sflag:s8], $0x0  }
0x24: {  	s3 =	sadd.s32 $0x88, s3;
	s6 =	simm.s32 @!p1 $0x1082;
	[sflag:s4] =	ssyncset.s32 $0xFFFFF086  }
0x25: {  	[simem:s6], [sflag:s4] =	dma.local [hbm:s3], $0xF7A  }
0x26: {  	[smem:$0x3F9E] =	sst s1;
	(tag) =	ssettag s2;
	_ =	strace s9  }
0x27: {  	s1 =	sld [smem:$0x3FAE]  }
0x28: {  	s2 =	sld [smem:$0x3FAF]  }
0x29: {  	s4 =	sld [smem:$0x3FB1]  }
0x2a: {  	p0 =	seq.s32 s5, $0x0;
	s5 =	sld [smem:$0x3FB2]  }
0x2b: {  	s6 =	sld [smem:$0x3FB3]  }
0x2c: {  	s7 =	sld [smem:$0x3FB4]  }
0x2d: {  	s3 =	simm.s32 $0x108;
	s8 =	sld [smem:$0x3FB5]  }
0x2e: {  	s3 =	simm.s32 @!p0 $0x1082;
	s9 =	sld [smem:$0x3FB6]  }
0x2f: {  	lr =	sadd.s32 s0, s3;
	s0 =	sld [smem:$0x3FAD]  }
0x30: {  	s3 =	sld [smem:$0x3FB0]  }
0x31: {  	[smem:$0x3FB9] =	sst s10  }
0x32: {  	s10 =	sld [smem:$0x3FB7];
	_ =	sdelay $0x3  }
0x33: {  	p0 =	seq.s32 s10, $0x1;
	s10 =	sld [smem:$0x3FB9];
	_ =	sdelay $0x3  }
0x34: {  	[smem:$0x3FB9] =	sst s10  }
0x35: {  	s10 =	sld [smem:$0x3FB8];
	_ =	sdelay $0x3  }
0x36: {  	p1 =	seq.s32 s10, $0x1;
	s10 =	sld [smem:$0x3FB9];
	_ =	sdelay $0x3  }
0x37: {  	[smem:$0x3FB9] =	sst s10  }
0x38: {  	s10 =	sld [smem:$0x3FBA]  }
0x39: {  	_ = 	snop;
	(pc) =	sbr.ind lr, $3  }
0x3a: {  	_ = 	snop  }
0x3b: {  	_ = 	snop  }
0x3c: {  	p2 =	seq.s32 s10, $0x1;
	s10 =	sld [smem:$0x3FB9]  }
0x3d: {  	_ =	shalt  }
0x3e: {  	_ =	shalt  }
0x3f: {  	_ =	shalt  }
0x40: {  	_ =	shalt  }
0x41: {  	_ =	shalt  }
0x42: {  	_ =	shalt  }
0x43: {  	_ =	shalt  }
0x44: {  	_ =	shalt  }
0x45: {  	_ =	shalt  }
0x46: {  	_ =	shalt  }
0x47: {  	_ =	shalt  }
0x48: {  	_ =	shalt  }
0x49: {  	_ =	shalt  }
0x4a: {  	_ =	shalt  }
0x4b: {  	_ =	shalt  }
0x4c: {  	_ =	shalt  }
0x4d: {  	_ =	shalt  }
0x4e: {  	_ =	shalt  }
0x4f: {  	_ =	shalt  }
0x50: {  	_ =	shalt  }
0x51: {  	_ =	shalt  }
0x52: {  	_ =	shalt  }
0x53: {  	_ =	shalt  }
0x54: {  	_ =	shalt  }
0x55: {  	_ =	shalt  }
0x56: {  	_ =	shalt  }
0x57: {  	_ =	shalt  }
0x58: {  	_ =	shalt  }
0x59: {  	_ =	shalt  }
0x5a: {  	_ =	shalt  }
0x5b: {  	_ =	shalt  }
0x5c: {  	_ =	shalt  }
0x5d: {  	_ =	shalt  }
0x5e: {  	_ =	shalt  }
0x5f: {  	_ =	shalt  }
0x60: {  	_ =	shalt  }
0x61: {  	_ =	shalt  }
0x62: {  	_ =	shalt  }
0x63: {  	_ =	shalt  }
0x64: {  	_ =	shalt  }
0x65: {  	_ =	shalt  }
0x66: {  	_ =	shalt  }
0x67: {  	_ =	shalt  }
0x68: {  	_ =	shalt  }
0x69: {  	_ =	shalt  }
0x6a: {  	_ =	shalt  }
0x6b: {  	_ =	shalt  }
0x6c: {  	_ =	shalt  }
0x6d: {  	_ =	shalt  }
0x6e: {  	_ =	shalt  }
0x6f: {  	_ =	shalt  }
0x70: {  	_ =	shalt  }
0x71: {  	_ =	shalt  }
0x72: {  	_ =	shalt  }
0x73: {  	_ =	shalt  }
0x74: {  	_ =	shalt  }
0x75: {  	_ =	shalt  }
0x76: {  	_ =	shalt  }
0x77: {  	_ =	shalt  }
0x78: {  	_ =	shalt  }
0x79: {  	_ =	shalt  }
0x7a: {  	_ =	shalt  }
0x7b: {  	_ =	shalt  }
0x7c: {  	_ =	shalt  }
0x7d: {  	_ =	shalt  }
0x7e: {  	_ =	shalt  }
0x7f: {  	_ =	shalt  }
0x80: {  	_ =	shalt  }
0x81: {  	_ =	shalt  }
0x82: {  	_ =	shalt  }
0x83: {  	_ =	shalt  }
0x84: {  	_ =	shalt  }
0x85: {  	_ =	shalt  }
0x86: {  	_ =	shalt  }
0x87: {  	_ =	shalt  }
.Lfunc_end0:
.L_simem_size_0:
called_computation_lowered:
.L_overlay_start_0:
0x88: {  	s2 =	sld [smem:$0x3FD9]  }
0x89: {  	s3 =	sld [smem:$0x3FFE];
	_ =	sdelay $0x1  }
0x8a: {  	s1 =	srdreg.scid  }
0x8b: {  	s0 =	sand.u32 $0x1, s1  }
0x8c: {  	s14 =	sshll.u32 s0, $0xA;
	s2 =	sadd.s32 s3, s2  }
0x8d: {  	s2 =	sadd.s32 s2, s14  }
0x8e: {  	[smem:$0x3FC5] =	sst s2  }
0x8f: {  	_ = 	snop  }
0x90: {  	s2 =	sld [smem:$0x3FD0];
	_ =	sdelay $0x2  }
0x91: {  	s15 =	simm.s32 $0xA;
	s4 =	simm.s32 $0x10  }
0x92: {  	[smem:s4], [sflag:s15] =	dma.local [hbm:s2], $0x1  }
0x93: {  	_ =	swait.eq [sflag:s15], $0x1  }
0x94: {  	[sflag:s15] =	ssyncset.done $0x0  }
0x95: {  	[sflag:s15] =	ssyncadd.s32 $0xFFFFFFFF  }
0x96: {  	s16 =	sld [smem:$0x10];
	(tm) =	ssettm $0x1  }
0x97: {  	s17 =	sld [smem:$0x3FFB];
	_ =	sdelay $0x3  }
0x98: {  	_ =	strace s17  }
0x99: {  	s3 =	sld [smem:$0x3FFC];
	_ =	sdelay $0x3  }
0x9a: {  	_ =	strace s3  }
0x9b: {  	s3 =	sld [smem:$0x3FFD];
	_ =	sdelay $0x3  }
0x9c: {  	_ =	strace s3  }
0x9d: {  	_ =	strace $0x8FFFFFFF  }
0x9e: {  	s18 =	sld [smem:$0x3FDB];
	_ =	sdelay $0x1  }
0x9f: {  	s19 =	simm.s32 $_scs_section_size  }
0xa0: {  	s5 =	simm.s32 $_size__tile_overlayer_lowered;
	s6 =	simm.s32 $_tile_overlayer_lowered  }
0xa1: {  	s22 =	simm.s32 $0x1BFF;
	s21 =	sshll.u32 s6, $0x1;
	s3 =	sadd.s32 s19, s18  }
0xa2: {  	s7 =	simm.s32 $0x0;
	s20 =	sshll.u32 s5, $0x1;
	s5 =	sadd.s32 s21, s3  }
0xa3: {  	[timem:s7], [sflag:s22] =	dma.local [hbm:s5], s20  }
0xa4: {  	_ =	swait.ge [sflag:s22], s20  }
0xa5: {  	s4 =	ssub.s32 $0x0, s20;
	[sflag:s22] =	ssyncset.done $0x0  }
0xa6: {  	[sflag:s22] =	ssyncadd.s32 s4;
	_ =	sdelay $0x1  }
0xa7: {  	s23 =	simm.s32 $0x1B8B  }
0xa8: {  	_ =	swait.ge [sflag:s23], $0x1  }
0xa9: {  	[sflag:s23] =	ssyncset.done $0x0  }
0xaa: {  	s25 =	simm.s32 $0x1B8E;
	s24 =	sld [smem:$0x3FFE];
	[sflag:s23] =	ssyncadd.s32 $0xFFFFFFFF  }
0xab: {  	s26 =	simm.s32 $execute0_lowered;
	[smem:$0x3FD2] =	sst s25  }
0xac: {  	s5 =	sshll.u32 s26, $0x1;
	_ =	strace $0x80000046;
	[dreg:$0x1] =	wrdreg $0xFFFFFFFF  }
0xad: {  	s28 =	simm.s32 $_size_execute0_lowered;
	s3 =	sadd.s32 s3, s5;
	[dreg:$0x0] =	wrdreg $0x0  }
0xae: {  	s5 =	sshll.u32 s28, $0x1;
	[dreg:$0x2] =	wrdreg s3  }
0xaf: {  	[dreg:$0x3] =	wrdreg s5  }
0xb0: {  	[dreg:$0x4] =	wrdreg $0xC0  }
0xb1: {  	_ =	task [dreg:s7], $0x5FFFF  }
0xb2: {  	[dreg:$0x1] =	wrdreg $0xFFFFFFFF  }
0xb3: {  	[dreg:$0x0] =	wrdreg $0x60  }
0xb4: {  	[dreg:$0x2] =	wrdreg s24  }
0xb5: {  	[dreg:$0x3] =	wrdreg s16  }
0xb6: {  	[dreg:$0x4] =	wrdreg $0x9  }
0xb7: {  	_ =	task.clear_ibuf [dreg:s7], $0x5FFFF;
	_ =	strace $0x90000046  }
0xb8: {  	s29 =	simm.s32 $0x9;
	_ =	strace $0x80000048  }
0xb9: {  	_ =	swait.ge [sflag:s29], $0x1  }
0xba: {  	[sflag:s29] =	ssyncadd.s32 $0xFFFFFFFF  }
0xbb: {  	_ =	strace $0x90000048  }
0xbc: {  	_ =	sfence  }
0xbd: {  	s30 =	sld [smem:$0x0];
	_ =	sdelay $0x2  }
0xbe: {  	s31 =	sshll.u32 s1, $0xD;
	s1 =	sshrl.u32 s1, $0x2  }
0xbf: {  	s3 =	sand.u32 $0x4000, s31;
	s1 =	sadd.s32 s1, s30  }
0xc0: {  	s0 =	sor.u32 s3, s0;
	s1 =	sshll.u32 s1, $0x11  }
0xc1: {  	s0 =	sor.u32 s1, s0  }
0xc2: {  	s0 =	sadd.s32 $0x8F2B, s0  }
0xc3: {  	[sflag:s0] =	ssyncadd.remote.s32 $0x1  }
0xc4: {  	_ =	sfence.sel $0xFFFF  }
0xc5: {  	[dreg:$0x0] =	wrdreg $0xFFFFFFFF;
	(pc) =	sbr.abs _section_cstart, $3  }
0xc6: {  	[dreg:$0x1] =	wrdreg $0xFFFFFFFF  }
0xc7: {  	_ =	task.clear_ibuf [dreg:s7], $0x2FFFF;
	_ =	strace $0x9FFFFFFF  }
0xc8: {  	(tm) =	ssettm $0x7FFFFFFF  }
0xc9: {  	_ =	shalt  }
tec
execute0_lowered:
.L_overlay_start_1:
0x0: {  	(tag) =	ssettag $0x1  }
0x1: {  	s1 =	stileid.u32  }
0x2: {  	p0 =	sgt.u32 s1, $0x7  }
.Ltmp0:
0x3: {  	_ = 	snop;
	(pc) =	sbr.rel @p0 .LBB2_11-.Ltmp0, $4  }
0x4: {  	s4 =	rddreg [dreg:$0x0]  }
0x5: {  	s5 =	rddreg [dreg:$0x1];
	s2 =	simm.s32 $0x0  }
0x6: {  	[smem:$0x7FF] =	sst s2  }
0x7: {  	s0 =	rddreg [dreg:$0x2];
	_ =	strace $0x80000047  }
0x8: {  	s3 =	srdreg.scid  }
0x9: {  	s6 =	sand.u32 $0x1, s3  }
0xa: {  	s3 =	sor.u32 s6, s1  }
0xb: {  	p1 =	seq.s32 s6, $0x1;
	p0 =	seq.s32 s3, $0x0  }
0xc: {  	s8 =	sadd.s32 $0x800, s4;
	s12 =	simm.s32 $0x3000;
	p0 =	por !p0, !p1  }
0xd: {  	s13 =	simm.s32 $0x2000;
	s3 =	simm.s32 $0x1;
	p0 =	por !p0, !p0  }
0xe: {  	s7 =	sshll.u32 s6, $0x7;
	s11 =	ssub.s32 $0x2, s6;
	s3 =	simm.s32 @!p0 $0x0  }
0xf: {  	s10 =	sshll.u32 s6, $0x4;
	s31 =	sshrl.u32 s11, $0x1;
	s3 =	ssub.s32 s1, s3  }
0x10: {  	s5 =	sadd.s32 s5, s10;
	s10 =	ssub.s32 s11, s31;
	s3 =	sshll.u32 s3, $0xD  }
.Ltmp1:
0x11: {  	s11 =	simm.s32 $0x100;
	s7 =	sor.u32 s7, s3;
	(pc) =	sbr.rel .LBB2_2-.Ltmp1, $4  }
0x12: {  	v0 =	vlaneseq.u32;
	p0 =	seq.s32 s6, $0x0;
	s9 =	sshrl.u32 s3, $0x3;
	s7 =	sshrl.u32 s7, $0x3  }
0x13: {  	v2 =	vmul.u32 $0xFFFFFFFF, v0;
	s3 =	simm.s32 $0x1;
	s30 =	sadd.s32 s9, s8;
	s7 =	sadd.s32 s7, s4  }
0x14: {  	v1 =	vimm.f32 $0.0e+00;
	s4 =	sadd.s32 $0x10, s30;
	s6 =	sadd.s32 $0x2800, s7;
	s7 =	sadd.s32 s8, s9  }
0x15: {  	vm0 =	vcmask $0x3F10;
	v3 =	vimm.f32 $8.333333580e-02;
	v2 =	vadd.s32 $0xF, v2;
	s8 =	smax.u32 s10, $0x1;
	s9 =	simm.s32 $0x80;
	s10 =	simm.s32 $0x1000  }
.LBB2_9:
0x16: {  	v11 =	vpop (erf);
	v7 =	vsel vm1, v9, v7;
	v8 =	vsel vm1, v8, v10  }
0x17: {  	v48 =	vadd.f32 v11, v4;
	(xrf1) =	vsort.ascd.msk.f32 $0xffff, v7, v8  }
0x18: {  	v49 =	vmax.f32 v5, v6  }
0x19: {  	v5 =	vsub.f32 v5, v49;
	(erf) = vrcp.f32 v48  }
0x1a: {  	v6 =	vsub.f32 v6, v49  }
0x1b: {  	v5 =	vmul.f32 $1.442695020e+00, v5  }
0x1c: {  	v6 =	vmul.f32 $1.442695020e+00, v6  }
0x1d: {  	(erf) = vpow2.f32 v5  }
0x1e: {  	(erf) = vpow2.f32 v6;
	_ =	sdelay $0x3  }
0x1f: {  	v4 =	vpsel p0, v11, v4;
	v5 =	vpop (erf)  }
0x20: {  	v51, v50, _ =	vpop (xrf1);
	v4 =	vmul.f32 v5, v4  }
0x21: {  	v5 =	vperm.xlane v51, v2  }
0x22: {  	v52 =	vor.u32 s14, v0;
	v7 =	vperm.xlane v50, v2;
	v8, v53, _ =	vpop (xrf1)  }
0x23: {  	v54 =	vpop (erf);
	(xrf1) =	vsort.ascd.msk.f32 $0xffff, v4, v52;
	vm1 =	vge.f32 v8, v5  }
0x24: {  	v4 =	vpop (erf);
	v5 =	vsel vm1, v8, v5;
	v55 =	vsel vm1, v53, v7  }
0x25: {  	v56 =	vadd.f32 v4, v54;
	(xrf1) =	vsort.ascd.msk.f32 $0xffff, v5, v55;
	_ =	sdelay $0x1  }
0x26: {  	(erf) = vrcp.f32 v56;
	_ =	sdelay $0x8  }
0x27: {  	v5 =	vpop (erf)  }
0x28: {  	v4 =	vpsel p0, v4, v54;
	v57, v58, _ =	vpop (xrf1)  }
0x29: {  	v4 =	vmul.f32 v5, v4;
	v5 =	vperm.xlane v57, v2  }
0x2a: {  	v59 =	vor.u32 s15, v0;
	v7 =	vperm.xlane v58, v2;
	v60, v61, _ =	vpop (xrf1)  }
0x2b: {  	(xrf1) =	vsort.ascd.msk.f32 $0xffff, v4, v59;
	vm1 =	vge.f32 v60, v5  }
0x2c: {  	v4 =	vsel vm1, v60, v5;
	v5 =	vsel vm1, v61, v7  }
0x2d: {  	(xrf1) =	vsort.ascd.msk.f32 $0xffff, v4, v5;
	_ =	sdelay $0xb  }
0x2e: {  	v4, v5, _ =	vpop (xrf1)  }
0x2f: {  	v4 =	vperm.xlane v4, v2  }
0x30: {  	v5 =	vperm.xlane v5, v2;
	v62, v63, _ =	vpop (xrf1)  }
0x31: {  	vm1 =	vge.f32 v62, v4  }
0x32: {  	v4 =	vsel vm1, v62, v4;
	v5 =	vsel vm1, v63, v5  }
0x33: {  	(xrf1) =	vsort.ascd.msk.f32 $0xffff, v4, v5;
	_ =	sdelay $0xd  }
0x34: {  	v4, v5, _ =	vpop (xrf1);
	_ =	sdelay $0x3  }
0x35: {  	[tilespmem:v5+s13+$0x0] =	vst.idx.msk vm0, v3  }
.LBB2_10:
0x36: {  	s2 =	sadd.s32 $0x1, s2  }
0x37: {  	p1 =	sne.s32 s2, s8  }
.Ltmp2:
0x38: {  	_ = 	snop;
	(pc) =	sbr.rel @!p1 .LBB2_11-.Ltmp2, $4  }
0x39: {  	[hbm4b:s6+s9] =	stream.strided.scatter [tilespmem:s13], [sflag:$0x1], $0x1000, s11, s9, $0x38;
	[tilespmem:$0x3080] =	vst v63  }
0x3a: {  	_ =	swait.ge [sflag:s3], $0x1000  }
0x3b: {  	[sflag:s3] =	ssyncset.done $0x0  }
0x3c: {  	[sflag:s3] =	ssyncadd.s32 $0xFFFFF000  }
.LBB2_2:
0x3d: {  	s14 =	simm.s32 $0x0  }
0x3e: {  	[tilespmem:s14], [sflag:$0x1] =	stream.strided.gather [hbm4b:s7+s9], $0x1000, s11, s9, $0x38;
	[tilespmem:$0x3080] =	vst v63  }
0x3f: {  	_ =	swait.ge [sflag:s3], $0x1000  }
0x40: {  	[sflag:s3] =	ssyncset.done $0x0  }
0x41: {  	[sflag:s3] =	ssyncadd.s32 $0xFFFFF000  }
0x42: {  	[tilespmem:s10], [sflag:$0x1] =	stream.strided.gather [hbm4b:s4+s9], $0x1000, s11, s9, $0x38;
	[tilespmem:$0x3080] =	vst v63  }
0x43: {  	_ =	swait.ge [sflag:s3], $0x1000  }
0x44: {  	[sflag:s3] =	ssyncset.done $0x0  }
0x45: {  	[sflag:s3] =	ssyncadd.s32 $0xFFFFF000  }
0x46: {  	[tilespmem:s12], [sflag:$0x1] =	stream.linear.gather [hbm4b:s5+s14], $0x80, $0x38;
	[tilespmem:$0x3080] =	vst v63  }
0x47: {  	_ =	swait.ge [sflag:s3], $0x80  }
0x48: {  	[sflag:s3] =	ssyncset.done $0x0  }
0x49: {  	s14 =	simm.s32 $0x0;
	[sflag:s3] =	ssyncadd.s32 $0xFFFFFF80  }
0x4a: {  	v4 =	vld [tilespmem:s14+$0x0]  }
0x4b: {  	v5 =	vld [tilespmem:s14+$0x1000];
	_ =	sdelay $0x4  }
0x4c: {  	s15 =	simm.s32 $0x10;
	v6 =	vmax.f32 v4, v5  }
0x4d: {  	v7 =	vld [tilespmem:s15+$0x0];
	v4 =	vsub.f32 v4, v6  }
0x4e: {  	v5 =	vsub.f32 v5, v6;
	v6 =	vld [tilespmem:s15+$0x1000]  }
0x4f: {  	v4 =	vmul.f32 $1.442695020e+00, v4  }
0x50: {  	s16 =	simm.s32 $0x20;
	v5 =	vmul.f32 $1.442695020e+00, v5  }
0x51: {  	(erf) = vpow2.f32 v4;
	v4 =	vld [tilespmem:s16+$0x0]  }
0x52: {  	(erf) = vpow2.f32 v5;
	v5 =	vld [tilespmem:s16+$0x1000]  }
0x53: {  	v8 =	vmax.f32 v7, v6  }
0x54: {  	v7 =	vsub.f32 v7, v8  }
0x55: {  	v6 =	vsub.f32 v6, v8  }
0x56: {  	v7 =	vmul.f32 $1.442695020e+00, v7  }
0x57: {  	s17 =	simm.s32 $0x30;
	v6 =	vmul.f32 $1.442695020e+00, v6;
	v8 =	vmax.f32 v4, v5  }
0x58: {  	(erf) = vpow2.f32 v7;
	v7 =	vld [tilespmem:s17+$0x0];
	v4 =	vsub.f32 v4, v8  }
0x59: {  	v5 =	vsub.f32 v5, v8;
	(erf) = vpow2.f32 v6;
	v6 =	vld [tilespmem:s17+$0x1000]  }
0x5a: {  	v12 =	vpop (erf);
	v4 =	vmul.f32 $1.442695020e+00, v4  }
0x5b: {  	v5 =	vmul.f32 $1.442695020e+00, v5;
	v13 =	vpop (erf)  }
0x5c: {  	(erf) = vpow2.f32 v4;
	v4 =	vadd.f32 v13, v12  }
0x5d: {  	s18 =	simm.s32 $0x40;
	(erf) = vpow2.f32 v5  }
0x5e: {  	v9 =	vld [tilespmem:s18+$0x1000];
	(erf) = vrcp.f32 v4;
	v4 =	vmax.f32 v7, v6  }
0x5f: {  	v8 =	vld [tilespmem:s18+$0x0];
	v7 =	vsub.f32 v7, v4  }
0x60: {  	v4 =	vsub.f32 v6, v4  }
0x61: {  	v5 =	vpop (erf);
	v7 =	vmul.f32 $1.442695020e+00, v7  }
0x62: {  	v6 =	vpop (erf);
	v10 =	vmul.f32 $1.442695020e+00, v4  }
0x63: {  	s19 =	simm.s32 $0x50;
	(erf) = vpow2.f32 v7;
	v7 =	vadd.f32 v6, v5  }
0x64: {  	v11 =	vmax.f32 v8, v9;
	(erf) = vpow2.f32 v10;
	v10 =	vld [tilespmem:s19+$0x0]  }
0x65: {  	v14 =	vsub.f32 v8, v11;
	v15 =	vsub.f32 v9, v11;
	v11 =	vld [tilespmem:s19+$0x1000];
	(erf) = vrcp.f32 v7  }
0x66: {  	v4 =	vld [tilespmem:$0x3000];
	v8 =	vpop (erf)  }
0x67: {  	v14 =	vmul.f32 $1.442695020e+00, v14;
	v9 =	vpop (erf)  }
0x68: {  	s20 =	simm.s32 $0x180;
	v12 =	vpsel p0, v13, v12;
	v15 =	vmul.f32 $1.442695020e+00, v15;
	v7 =	vimm.f32 $0.0e+00;
	v13 =	vpop (erf)  }
.LBB2_3:
0x69: {  	s21 =	sshra.s32 s20, $0x2;
	(erf) = vpow2.f32 v14;
	v14 =	vadd.f32 v9, v8;
	v12 =	vmul.f32 v13, v12;
	v13 =	vmovc v10;
	v16 =	vmovc v8;
	p1 =	sne.s32 s20, $0x3FC0  }
.Ltmp3:
0x6a: {  	v17 =	vmovc v6;
	v6 =	vmovc v9;
	v10 =	vld [tilespmem:s21+$0x0];
	v18 =	vmax.f32 v13, v11;
	(erf) = vpow2.f32 v15;
	v15 =	vmov v11;
	(pc) =	sbr.rel @p1 .LBB2_3-.Ltmp3, $4  }
0x6b: {  	v11 =	vld [tilespmem:s21+$0x1000];
	v19 =	vsub.f32 v13, v18;
	(erf) = vrcp.f32 v14;
	vm1 =	vgt.f32 v12, v4  }
0x6c: {  	s20 =	sadd.s32 $0x40, s20;
	v12 =	vsub.f32 v15, v18;
	v8 =	vpop (erf);
	v18 =	vsel vm1, $0x3F800000, v1  }
0x6d: {  	v14 =	vmul.f32 $1.442695020e+00, v19;
	v9 =	vpop (erf);
	[tilespmem:s14+$0x2000] =	vst v18;
	v7 =	vadd.f32 v18, v7;
	s14 =	smov.u32 s15;
	s15 =	smov.u32 s16;
	s16 =	smov.u32 s17  }
0x6e: {  	v15 =	vmul.f32 $1.442695020e+00, v12;
	v12 =	vpsel p0, v17, v5;
	v5 =	vmov v16;
	s17 =	smov.u32 s18;
	s18 =	smov.u32 s19;
	s19 =	smov.u32 s21;
	v13 =	vpop (erf)  }
0x6f: {  	_ = 	snop  }
0x70: {  	v16 =	vmax.f32 v10, v11  }
0x71: {  	v10 =	vsub.f32 v10, v16  }
0x72: {  	(erf) = vpow2.f32 v14;
	v46 =	vadd.f32 v9, v8;
	v11 =	vsub.f32 v11, v16  }
0x73: {  	(erf) = vpow2.f32 v15;
	v10 =	vmul.f32 $1.442695020e+00, v10  }
0x74: {  	(erf) = vrcp.f32 v46;
	v11 =	vmul.f32 $1.442695020e+00, v11  }
0x75: {  	(erf) = vpow2.f32 v10  }
0x76: {  	(erf) = vpow2.f32 v11;
	_ =	sdelay $0x1  }
0x77: {  	v47 =	vpop (erf)  }
0x78: {  	v48 =	vpop (erf)  }
0x79: {  	v49 =	vpop (erf)  }
0x7a: {  	v50 =	vpop (erf)  }
0x7b: {  	v51 =	vadd.f32 v48, v47;
	v17 =	vpop (erf)  }
0x7c: {  	v18 =	vpop (erf)  }
0x7d: {  	(erf) = vrcp.f32 v51;
	v52 =	vadd.f32 v17, v50;
	v19 =	vpop (erf)  }
0x7e: {  	v20 =	vpop (erf)  }
0x7f: {  	(erf) = vrcp.f32 v52;
	v53 =	vadd.f32 v20, v19;
	_ =	sdelay $0x1  }
0x80: {  	v12 =	vmul.f32 v13, v12;
	(erf) = vrcp.f32 v53  }
0x81: {  	v5 =	vpsel p0, v6, v5  }
0x82: {  	vm1 =	vgt.f32 v12, v4;
	v5 =	vmul.f32 v49, v5  }
0x83: {  	v6 =	vpsel p0, v9, v8;
	v54 =	vsel vm1, $0x3F800000, v1  }
0x84: {  	v7 =	vadd.f32 v54, v7;
	vm1 =	vgt.f32 v5, v4;
	v5 =	vmul.f32 v18, v6  }
0x85: {  	v55 =	vpsel p0, v48, v47;
	v6 =	vsel vm1, $0x3F800000, v1;
	v56 =	vpop (erf)  }
0x86: {  	v7 =	vadd.f32 v6, v7;
	vm1 =	vgt.f32 v5, v4;
	v5 =	vmul.f32 v56, v55  }
0x87: {  	v58 =	vpsel p0, v17, v50;
	v57 =	vsel vm1, $0x3F800000, v1;
	v59 =	vpop (erf)  }
0x88: {  	v7 =	vadd.f32 v57, v7;
	vm1 =	vgt.f32 v5, v4;
	v5 =	vmul.f32 v59, v58  }
0x89: {  	v61 =	vpsel p0, v20, v19;
	v60 =	vsel vm1, $0x3F800000, v1;
	v62 =	vpop (erf)  }
0x8a: {  	v7 =	vadd.f32 v60, v7;
	vm1 =	vgt.f32 v5, v4;
	v5 =	vmul.f32 v62, v61  }
0x8b: {  	v63 =	vsel vm1, $0x3F800000, v1  }
0x8c: {  	v7 =	vadd.f32 v63, v7;
	vm1 =	vgt.f32 v5, v4  }
0x8d: {  	v5 =	vsel vm1, $0x3F800000, v1  }
0x8e: {  	v4 =	vadd.f32 v5, v7;
	_ =	sdelay $0x1  }
0x8f: {  	(xrf2) =	vadd.scan.msk.f32 $0xffff, v4;
	_ =	sdelay $0x9  }
0x90: {  	v4, _, _ =	vpop (xrf2)  }
0x91: {  	v7 =	vbroadcast v4, $0xF;
	_ =	sdelay $0x1  }
0x92: {  	vm1 =	vgt.f32 v7, $0.0e+00  }
0x93: {  	v7 =	vnsel vm1, $0x3F800000, v7  }
0x94: {  	(erf) = vrcp.f32 v7;
	_ =	sdelay $0x4  }
0x95: {  	[tilespmem:s14+$0x2000] =	vst v54  }
0x96: {  	[tilespmem:s15+$0x2000] =	vst v6  }
0x97: {  	[tilespmem:s16+$0x2000] =	vst v57  }
0x98: {  	[tilespmem:s17+$0x2000] =	vst v60  }
0x99: {  	[tilespmem:s18+$0x2000] =	vst v63;
	v6 =	vpop (erf)  }
0x9a: {  	s14 =	simm.s32 $0x0;
	s15 =	simm.s32 $0x40;
	[tilespmem:s19+$0x2000] =	vst v5;
	v5 =	vnsel vm1, $0x0, v6  }
.LBB2_5:
0x9b: {  	p1 =	sne.s32 s15, $0x3FC0;
	v6 =	vld [tilespmem:s14+$0x2000];
	_ =	sdelay $0x2  }
.Ltmp4:
0x9c: {  	(pc) =	sbr.rel @p1 .LBB2_5-.Ltmp4, $3  }
0x9d: {  	_ = 	snop  }
0x9e: {  	v6 =	vmul.f32 v6, v5;
	_ =	sdelay $0x1  }
0x9f: {  	[tilespmem:s14+$0x2000] =	vst v6;
	s14 =	sshra.s32 s15, $0x2;
	s15 =	sadd.s32 $0x40, s15  }
0xa0: {  	(v2sf) =	vpush v4, $0xF;
	_ =	sdelay $0xd  }
0xa1: {  	v4 =	vld [tilespmem:s14+$0x2000]  }
0xa2: {  	s15 =	spop (v2sf)  }
0xa3: {  	p1 =	sle.f32 s15, $0.0e+00  }
.Ltmp5:
0xa4: {  	_ = 	snop;
	(pc) =	sbr.rel @!p1 .LBB2_10-.Ltmp5, $3  }
0xa5: {  	_ = 	snop  }
0xa6: {  	v4 =	vmul.f32 v4, v5;
	_ =	sdelay $0x1  }
0xa7: {  	[tilespmem:s14+$0x2000] =	vst v4  }
0xa8: {  	s15 =	simm.s32 $0x0  }
0xa9: {  	s14 =	simm.s32 $0x1000;
	v4 =	vld [tilespmem:s15+$0x0]  }
0xaa: {  	v5 =	vld [tilespmem:s14+$0x0];
	_ =	sdelay $0x4  }
0xab: {  	v6 =	vmax.f32 v4, v5  }
0xac: {  	v4 =	vsub.f32 v4, v6  }
0xad: {  	v5 =	vsub.f32 v5, v6  }
0xae: {  	v4 =	vmul.f32 $1.442695020e+00, v4  }
0xaf: {  	v5 =	vmul.f32 $1.442695020e+00, v5  }
0xb0: {  	(erf) = vpow2.f32 v4  }
0xb1: {  	(erf) = vpow2.f32 v5;
	_ =	sdelay $0x3  }
0xb2: {  	s18 =	simm.s32 $0x10  }
0xb3: {  	s31 =	simm.s32 $0x1010;
	v4 =	vld [tilespmem:s18+$0x0]  }
0xb4: {  	v5 =	vld [tilespmem:s31+$0x0];
	_ =	sdelay $0x1  }
0xb5: {  	v6 =	vpop (erf)  }
0xb6: {  	v7 =	vpop (erf)  }
0xb7: {  	v8 =	vadd.f32 v7, v6  }
0xb8: {  	v9 =	vmax.f32 v4, v5  }
0xb9: {  	v4 =	vsub.f32 v4, v9;
	(erf) = vrcp.f32 v8  }
0xba: {  	v5 =	vsub.f32 v5, v9  }
0xbb: {  	v4 =	vmul.f32 $1.442695020e+00, v4  }
0xbc: {  	v5 =	vmul.f32 $1.442695020e+00, v5  }
0xbd: {  	(erf) = vpow2.f32 v4  }
0xbe: {  	(erf) = vpow2.f32 v5;
	_ =	sdelay $0x3  }
0xbf: {  	v6 =	vpsel p0, v7, v6;
	v4 =	vpop (erf)  }
0xc0: {  	s16 =	simm.s32 $0x1020;
	v4 =	vmul.f32 v4, v6  }
0xc1: {  	s14 =	simm.s32 $0x20;
	v7 =	vld [tilespmem:s16+$0x0]  }
0xc2: {  	v5 =	vld [tilespmem:s14+$0x0]  }
0xc3: {  	v6 =	vor.u32 s15, v0;
	v8 =	vpop (erf)  }
0xc4: {  	(xrf1) =	vsort.ascd.msk.f32 $0xffff, v4, v6;
	v4 =	vpop (erf)  }
0xc5: {  	v6 =	vadd.f32 v4, v8;
	_ =	sdelay $0x1  }
0xc6: {  	v9 =	vmax.f32 v5, v7;
	(erf) = vrcp.f32 v6  }
0xc7: {  	v5 =	vsub.f32 v5, v9;
	_ =	sdelay $0x1  }
0xc8: {  	v5 =	vmul.f32 $1.442695020e+00, v5;
	_ =	sdelay $0x1  }
0xc9: {  	(erf) = vpow2.f32 v5;
	v5 =	vsub.f32 v7, v9;
	_ =	sdelay $0x1  }
0xca: {  	v10 =	vmul.f32 $1.442695020e+00, v5;
	_ =	sdelay $0x1  }
0xcb: {  	v6 =	vpop (erf);
	(erf) = vpow2.f32 v10;
	_ =	sdelay $0x3  }
0xcc: {  	s16 =	simm.s32 $0x30;
	v5, v11, _ =	vpop (xrf1)  }
0xcd: {  	s17 =	simm.s32 $0x1030;
	v4 =	vpsel p0, v4, v8;
	v7 =	vperm.xlane v5, v2;
	v5 =	vld [tilespmem:s16+$0x0]  }
0xce: {  	v12 =	vmul.f32 v6, v4;
	v6 =	vld [tilespmem:s17+$0x0]  }
0xcf: {  	v13 =	vor.u32 s18, v0;
	v9 =	vimm.f32 $-Inf;
	v10 =	vperm.xlane v11, v2  }
0xd0: {  	s18 =	simm.s32 $0x40;
	s15 =	simm.s32 $0x30;
	v8 =	vimm.s32 $0x0;
	v4 =	vpop (erf);
	(xrf1) =	vsort.ascd.msk.f32 $0xffff, v12, v13;
	vm1 =	vge.f32 v9, v7  }
.LBB2_8:
0xd1: {  	p1 =	sne.s32 s18, $0xFF0;
	v11 =	vpop (erf);
	v7 =	vsel vm1, v9, v7;
	v8 =	vsel vm1, v8, v10  }
0xd2: {  	v9 =	vadd.f32 v11, v4;
	(xrf1) =	vsort.ascd.msk.f32 $0xffff, v7, v8  }
0xd3: {  	v7 =	vmax.f32 v5, v6  }
0xd4: {  	v5 =	vsub.f32 v5, v7;
	(erf) = vrcp.f32 v9  }
0xd5: {  	v6 =	vsub.f32 v6, v7  }
0xd6: {  	v5 =	vmul.f32 $1.442695020e+00, v5  }
0xd7: {  	v6 =	vmul.f32 $1.442695020e+00, v6  }
0xd8: {  	(erf) = vpow2.f32 v5  }
0xd9: {  	(erf) = vpow2.f32 v6;
	_ =	sdelay $0x3  }
.Ltmp6:
0xda: {  	s16 =	sadd.s32 $0x10, s16;
	v7 =	vpop (erf);
	(pc) =	sbr.rel @p1 .LBB2_8-.Ltmp6, $4  }
0xdb: {  	s17 =	sadd.s32 $0x10, s17;
	v4 =	vpsel p0, v11, v4;
	v5 =	vld [tilespmem:s16+$0x0];
	v8, v9, _ =	vpop (xrf1)  }
0xdc: {  	v11 =	vmul.f32 v7, v4;
	v6 =	vld [tilespmem:s17+$0x0];
	v7 =	vperm.xlane v8, v2  }
0xdd: {  	v12 =	vor.u32 s14, v0;
	s14 =	smov.u32 s15;
	s15 =	smov.u32 s18;
	v10 =	vperm.xlane v9, v2;
	v9, v8, _ =	vpop (xrf1)  }
0xde: {  	s18 =	sadd.s32 $0x10, s18;
	v4 =	vpop (erf);
	(xrf1) =	vsort.ascd.msk.f32 $0xffff, v11, v12;
	vm1 =	vge.f32 v9, v7  }
.Ltmp7:
0xdf: {  	_ = 	snop;
	(pc) =	sbr.rel .LBB2_9-.Ltmp7, $1  }
0xe0: {  	_ =	sdelay $0x3  }
.LBB2_11:
0xe1: {  	_ =	sfence.sel $0x180000  }
0xe2: {  	[bflag:$0x0] =	sbarrier.arrive $0xFFFF  }
0xe3: {  	p0 =	sne.s32 s1, $0x0;
	_ =	strace $0x90000047  }
0xe4: {  	s0 =	sadd.s32 @!p0 $0x100000, s0;
	[bflag:$0x2] =	sbarrier.arrive $0xFFFF  }
0xe5: {  	[sflag:s0] =	ssyncadd.tile.s32 @!p0 $0x1;
	_ =	shalt  }
.Lfunc_end2:
_tile_overlayer_lowered:
.L_overlay_start_2:
0xe6: {  	(tag) =	ssettag $0x2  }
0xe7: {  	s0 =	rddreg [dreg:$0x0];
	s2 =	stileid.u32  }
0xe8: {  	s1 =	rddreg [dreg:$0x1];
	p0 =	sne.s32 s2, $0x0  }
0xe9: {  	s3 =	rddreg [dreg:$0x2];
	[bflag:$0x3] =	sbarrier.arrive $0xFFFF;
	s2 =	simm.s32 @!p0 $0x1C01  }
0xea: {  	[timem:s3], [sflag:s2] =	dma.local @!p0 [hbm:s0], s1  }
0xeb: {  	s0 =	simm.s32 @!p0 $0x1  }
0xec: {  	_ =	swait.ge @!p0 [sflag:s0], s1  }
0xed: {  	s1 =	ssub.s32 @!p0 $0x0, s1;
	[sflag:s0] =	ssyncset.done @!p0 $0x0  }
0xee: {  	[sflag:s0] =	ssyncadd.s32 @!p0 s1  }
0xef: {  	[bflag:$0x3] =	sbarrier.arrive $0xFFFF  }
0xf0: {  	_ =	shalt  }

</sc_bundles>
